<compile_context>
chip_gen: v7x
topology: tpu7x:2x2x1
jax: 0.10.2.dev20260603
libtpu: 0.0.44.dev20260713+nightly
codegen_flags: <defaults>
</compile_context>

<pallas_src>
import functools
import numpy as np
import jax
import jax.numpy as jnp
from jax import lax
from jax.experimental import pallas as pl
from jax.experimental.pallas import tpu as pltpu
from jax.experimental.pallas import tpu_sc as plsc

PRE = 600
POST = 100
THR = 0.7
NSEL = 640
I32MIN = np.int32(-2147483648)
I32TOP = np.int32(0x7FFFFFFF)


def _trunk_body(x_ref, wt_ref, w2_ref, b256_ref, b80_ref, img_ref,
                aw_ref, ah_ref, acx_ref, acy_ref,
                sc_ref, x1_ref, y1_ref, x2_ref, y2_ref):
    X = x_ref[0]
    p = lax.broadcasted_iota(jnp.int32, (1024, 1), 0)
    xcol = p & 31
    acc = jnp.zeros((1024, 256), jnp.float32)
    for dy in range(3):
        for dx in range(3):
            s = (dy - 1) * 32 + (dx - 1)
            if s > 0:
                Xs = jnp.concatenate(
                    [X[s:], jnp.zeros((s, 384), jnp.float32)], axis=0)
            elif s < 0:
                Xs = jnp.concatenate(
                    [jnp.zeros((-s, 384), jnp.float32), X[:s]], axis=0)
            else:
                Xs = X
            if dx == 0:
                Xs = Xs * (xcol >= 1).astype(jnp.float32)
            elif dx == 2:
                Xs = Xs * (xcol <= 30).astype(jnp.float32)
            acc = acc + jnp.dot(Xs, wt_ref[dy * 3 + dx],
                                preferred_element_type=jnp.float32)
    t = jnp.maximum(acc + b256_ref[...], 0.0)
    out80 = jnp.dot(t, w2_ref[...],
                    preferred_element_type=jnp.float32) + b80_ref[...]
    sc = out80[:, 0:9]
    dxv = out80[:, 16:25]
    dyv = out80[:, 32:41]
    dwv = out80[:, 48:57]
    dhv = out80[:, 64:73]
    aw = aw_ref[...]
    ah = ah_ref[...]
    pcx = acx_ref[...] + dxv * aw
    pcy = acy_ref[...] + dyv * ah
    pw = aw * jnp.exp(dwv)
    ph = ah * jnp.exp(dhv)
    imh = img_ref[0].astype(jnp.float32)
    imw = img_ref[1].astype(jnp.float32)
    sc_ref[0] = sc
    x1_ref[0] = jnp.minimum(jnp.maximum(pcx - 0.5 * pw, 0.0), imw)
    y1_ref[0] = jnp.minimum(jnp.maximum(pcy - 0.5 * ph, 0.0), imh)
    x2_ref[0] = jnp.minimum(jnp.maximum(pcx + 0.5 * pw, 0.0), imw)
    y2_ref[0] = jnp.minimum(jnp.maximum(pcy + 0.5 * ph, 0.0), imh)


def _run_trunk(X, Wt, W2, b256, b80, img, aw, ah, acx, acy):
    B = X.shape[0]
    o = jax.ShapeDtypeStruct((B, 1024, 9), jnp.float32)
    full = lambda shp: pl.BlockSpec(shp, lambda b: tuple(0 for _ in shp))
    return pl.pallas_call(
        _trunk_body,
        grid=(B,),
        in_specs=[
            pl.BlockSpec((1, 1024, 384), lambda b: (b, 0, 0)),
            full((9, 384, 256)),
            full((256, 80)),
            full((1, 256)),
            full((1, 80)),
            pl.BlockSpec(memory_space=pltpu.SMEM),
            full((1, 9)),
            full((1, 9)),
            full((1024, 9)),
            full((1024, 9)),
        ],
        out_specs=[pl.BlockSpec((1, 1024, 9), lambda b: (b, 0, 0))] * 5,
        out_shape=[o] * 5,
    )(X, Wt, W2, b256, b80, img, aw, ah, acx, acy)


def _tau_body(sc_ref, tau_ref, key_ref):
    s = sc_ref[...]
    i = lax.bitcast_convert_type(s, jnp.int32)
    K = i ^ (lax.shift_right_arithmetic(i, 31) & I32TOP)
    key_ref[...] = K
    U = K ^ I32MIN

    def body(it, v):
        j = 31 - it
        cand = v | lax.shift_left(jnp.int32(1), j)
        m = ~(lax.shift_left(jnp.int32(1), j) - 1)
        a = (U & m) ^ I32MIN
        b = cand ^ I32MIN
        cnt = jnp.sum((a >= b).astype(jnp.int32), axis=1, keepdims=True)
        return jnp.where(cnt >= PRE, cand, v)

    v = lax.fori_loop(0, 32, body,
                      jnp.zeros((s.shape[0], 1), jnp.int32))
    tau_ref[...] = v ^ I32MIN


def _run_tau(scores):
    B, N = scores.shape
    return pl.pallas_call(
        _tau_body,
        out_shape=[jax.ShapeDtypeStruct((B, 1), jnp.int32),
                   jax.ShapeDtypeStruct((B, N), jnp.int32)],
    )(scores)


def _select_body(s_hbm, k_hbm, x1_hbm, y1_hbm, x2_hbm, y2_hbm, tau_hbm,
                 os_hbm, oi_hbm, ox1_hbm, oy1_hbm, ox2_hbm, oy2_hbm,
                 s_v, k_v, x1_v, y1_v, x2_v, y2_v, tau_v,
                 g_s, g_i, g_x1, g_y1, g_x2, g_y2,
                 e_s, e_i, e_x1, e_y1, e_x2, e_y2,
                 f_s, f_i, f_x1, f_y1, f_x2, f_y2):
    B = s_hbm.shape[0]
    N = s_hbm.shape[1]
    wid = lax.axis_index("s") * 2 + lax.axis_index("c")

    @pl.when(wid < B)
    def _():
        b = wid
        pltpu.sync_copy(s_hbm.at[b], s_v)
        pltpu.sync_copy(k_hbm.at[b], k_v)
        pltpu.sync_copy(x1_hbm.at[b], x1_v)
        pltpu.sync_copy(y1_hbm.at[b], y1_v)
        pltpu.sync_copy(x2_hbm.at[b], x2_v)
        pltpu.sync_copy(y2_hbm.at[b], y2_v)
        pltpu.sync_copy(tau_hbm.at[b], tau_v)
        tau = tau_v[...]
        lanes = lax.iota(jnp.int32, 16)

        def scan(v, carry):
            run_gt, run_eq = carry
            s = s_v[pl.ds(v * 16, 16)]
            key = k_v[pl.ds(v * 16, 16)]
            gt = key > tau
            eq = key == tau
            gti = gt.astype(jnp.int32)
            eqi = eq.astype(jnp.int32)
            cg = plsc.cumsum(gti)
            ce = plsc.cumsum(eqi)
            slot_g = run_gt + (cg - gti)
            slot_e = run_eq + (ce - eqi)
            idxv = v * 16 + lanes
            okg = gt & (slot_g < NSEL)
            oke = eq & (slot_e < NSEL)
            plsc.store_scatter(g_s, [slot_g], s, mask=okg)
            plsc.store_scatter(g_i, [slot_g], idxv, mask=okg)
            plsc.store_scatter(g_x1, [slot_g], x1_v[pl.ds(v * 16, 16)], mask=okg)
            plsc.store_scatter(g_y1, [slot_g], y1_v[pl.ds(v * 16, 16)], mask=okg)
            plsc.store_scatter(g_x2, [slot_g], x2_v[pl.ds(v * 16, 16)], mask=okg)
            plsc.store_scatter(g_y2, [slot_g], y2_v[pl.ds(v * 16, 16)], mask=okg)
            plsc.store_scatter(e_s, [slot_e], s, mask=oke)
            plsc.store_scatter(e_i, [slot_e], idxv, mask=oke)
            plsc.store_scatter(e_x1, [slot_e], x1_v[pl.ds(v * 16, 16)], mask=oke)
            plsc.store_scatter(e_y1, [slot_e], y1_v[pl.ds(v * 16, 16)], mask=oke)
            plsc.store_scatter(e_x2, [slot_e], x2_v[pl.ds(v * 16, 16)], mask=oke)
            plsc.store_scatter(e_y2, [slot_e], y2_v[pl.ds(v * 16, 16)], mask=oke)
            return run_gt + jnp.sum(gti), run_eq + jnp.sum(eqi)

        n_gt, n_eq = lax.fori_loop(0, N // 16, scan,
                                   (jnp.int32(0), jnp.int32(0)))

        def init(v, _):
            sl = pl.ds(v * 16, 16)
            j = v * 16 + lanes
            f_s[sl] = jnp.full((16,), -jnp.inf, jnp.float32)
            f_i[sl] = (1 << 22) + j
            z = jnp.zeros((16,), jnp.float32)
            f_x1[sl] = z
            f_y1[sl] = z
            f_x2[sl] = z
            f_y2[sl] = z
            return 0

        lax.fori_loop(0, NSEL // 16, init, 0)

        def cpg(v, _):
            sl = pl.ds(v * 16, 16)
            j = v * 16 + lanes
            m = j < n_gt
            plsc.store_scatter(f_s, [j], g_s[sl], mask=m)
            plsc.store_scatter(f_i, [j], g_i[sl], mask=m)
            plsc.store_scatter(f_x1, [j], g_x1[sl], mask=m)
            plsc.store_scatter(f_y1, [j], g_y1[sl], mask=m)
            plsc.store_scatter(f_x2, [j], g_x2[sl], mask=m)
            plsc.store_scatter(f_y2, [j], g_y2[sl], mask=m)
            return 0

        lax.fori_loop(0, NSEL // 16, cpg, 0)
        n_take = jnp.minimum(n_eq, PRE - n_gt)

        def cpe(v, _):
            sl = pl.ds(v * 16, 16)
            j = v * 16 + lanes
            m = j < n_take
            plsc.store_scatter(f_s, [n_gt + j], e_s[sl], mask=m)
            plsc.store_scatter(f_i, [n_gt + j], e_i[sl], mask=m)
            plsc.store_scatter(f_x1, [n_gt + j], e_x1[sl], mask=m)
            plsc.store_scatter(f_y1, [n_gt + j], e_y1[sl], mask=m)
            plsc.store_scatter(f_x2, [n_gt + j], e_x2[sl], mask=m)
            plsc.store_scatter(f_y2, [n_gt + j], e_y2[sl], mask=m)
            return 0

        lax.fori_loop(0, NSEL // 16, cpe, 0)
        pltpu.sync_copy(f_s, os_hbm.at[b])
        pltpu.sync_copy(f_i, oi_hbm.at[b])
        pltpu.sync_copy(f_x1, ox1_hbm.at[b])
        pltpu.sync_copy(f_y1, oy1_hbm.at[b])
        pltpu.sync_copy(f_x2, ox2_hbm.at[b])
        pltpu.sync_copy(f_y2, oy2_hbm.at[b])


def _run_select(scores, keys, x1, y1, x2, y2, tau16):
    B, N = scores.shape
    mesh = plsc.VectorSubcoreMesh(core_axis_name="c", subcore_axis_name="s")
    fo = jax.ShapeDtypeStruct((B, NSEL), jnp.float32)
    io = jax.ShapeDtypeStruct((B, NSEL), jnp.int32)
    vN = lambda dt: pltpu.VMEM((N,), dt)
    vS = lambda dt: pltpu.VMEM((NSEL,), dt)
    fn = pl.kernel(
        _select_body, mesh=mesh,
        compiler_params=pltpu.CompilerParams(needs_layout_passes=False),
        out_type=[fo, io, fo, fo, fo, fo],
        scratch_types=[
            vN(jnp.float32), vN(jnp.int32), vN(jnp.float32), vN(jnp.float32),
            vN(jnp.float32), vN(jnp.float32), pltpu.VMEM((16,), jnp.int32),
            vS(jnp.float32), vS(jnp.int32), vS(jnp.float32), vS(jnp.float32),
            vS(jnp.float32), vS(jnp.float32),
            vS(jnp.float32), vS(jnp.int32), vS(jnp.float32), vS(jnp.float32),
            vS(jnp.float32), vS(jnp.float32),
            vS(jnp.float32), vS(jnp.int32), vS(jnp.float32), vS(jnp.float32),
            vS(jnp.float32), vS(jnp.float32),
        ],
    )
    return fn(scores, keys, x1, y1, x2, y2, tau16)


def _nms_body(sr_ref, scv_ref, ir_ref, icv_ref, bc_ref, br_ref,
              out_ref, s_scr, sb_scr):
    b = pl.program_id(0)
    nb = pl.num_programs(0)
    sr = sr_ref[0]
    scv = scv_ref[0]
    ir = ir_ref[0]
    icv = icv_ref[0]
    bc = bc_ref[0]
    br = br_ref[0]

    beats_ji = (sr > scv) | ((sr == scv) & (ir < icv))
    rank_col = jnp.sum(beats_ji.astype(jnp.float32), axis=1, keepdims=True)
    beats_ij = (scv > sr) | ((scv == sr) & (icv < ir))
    rank_row = jnp.sum(beats_ij.astype(jnp.float32), axis=0, keepdims=True)

    r_c = lax.broadcasted_iota(jnp.int32, (NSEL, 1), 0).astype(jnp.float32)
    r_r = lax.broadcasted_iota(jnp.int32, (1, NSEL), 1).astype(jnp.float32)
    P = (r_c == rank_row).astype(jnp.float32)
    PT = (rank_col == r_r).astype(jnp.float32)
    scol = jnp.dot(P, bc, preferred_element_type=jnp.float32)
    srow = jnp.dot(br, PT, preferred_element_type=jnp.float32)

    x1c = scol[:, 0:1]
    y1c = scol[:, 1:2]
    x2c = scol[:, 2:3]
    y2c = scol[:, 3:4]
    x1r = srow[0:1, :]
    y1r = srow[1:2, :]
    x2r = srow[2:3, :]
    y2r = srow[3:4, :]
    areas_c = (x2c - x1c) * (y2c - y1c)
    areas_r = (x2r - x1r) * (y2r - y1r)
    xx1 = jnp.maximum(x1c, x1r)
    yy1 = jnp.maximum(y1c, y1r)
    xx2 = jnp.minimum(x2c, x2r)
    yy2 = jnp.minimum(y2c, y2r)
    inter = jnp.maximum(xx2 - xx1, 0.0) * jnp.maximum(yy2 - yy1, 0.0)
    union = areas_c + areas_r - inter
    iou = jnp.where(union > 0.0,
                    inter / jnp.where(union > 0.0, union, 1.0), 0.0)
    s_scr[b] = (iou > THR).astype(jnp.float32)
    sb_scr[b] = scol

    @pl.when(b == nb - 1)
    def _():
        li = lax.broadcasted_iota(jnp.int32, (1, NSEL), 1)
        keep0 = jnp.broadcast_to((li < PRE).astype(jnp.float32), (4, NSEL))

        def body(i, keep):
            oh = (li == i).astype(jnp.float32)
            ki = jnp.sum(keep * oh, axis=1, keepdims=True)
            row = s_scr[:, i, :]
            lgt = (li > i).astype(jnp.float32)
            return keep * (1.0 - row * ki * lgt)

        keep = lax.fori_loop(0, PRE, body, keep0)

        lic = lax.broadcasted_iota(jnp.int32, (NSEL, 1), 0)
        LT = (lic <= li).astype(jnp.float32)
        incl = jnp.dot(keep, LT,
                       preferred_element_type=jnp.float32)
        oc = lax.broadcasted_iota(jnp.int32, (104, 1), 0).astype(jnp.float32)
        for bb in range(4):
            ohsel = ((oc == (incl[bb:bb + 1] - 1.0)).astype(jnp.float32)
                     * keep[bb:bb + 1])
            out_ref[bb] = jnp.dot(ohsel, sb_scr[bb],
                                  preferred_element_type=jnp.float32)


def _run_nms(ssel, isel, bc, br):
    B = ssel.shape[0]
    return pl.pallas_call(
        _nms_body,
        grid=(B,),
        in_specs=[
            pl.BlockSpec((1, 1, NSEL), lambda b: (b, 0, 0)),
            pl.BlockSpec((1, NSEL, 1), lambda b: (b, 0, 0)),
            pl.BlockSpec((1, 1, NSEL), lambda b: (b, 0, 0)),
            pl.BlockSpec((1, NSEL, 1), lambda b: (b, 0, 0)),
            pl.BlockSpec((1, NSEL, 4), lambda b: (b, 0, 0)),
            pl.BlockSpec((1, 4, NSEL), lambda b: (b, 0, 0)),
        ],
        out_specs=pl.BlockSpec((B, 104, 4), lambda b: (0, 0, 0)),
        out_shape=jax.ShapeDtypeStruct((B, 104, 4), jnp.float32),
        scratch_shapes=[pltpu.VMEM((B, NSEL, NSEL), jnp.float32),
                        pltpu.VMEM((B, NSEL, 4), jnp.float32)],
    )(ssel[:, None, :], ssel[..., None], isel[:, None, :], isel[..., None],
      bc, br)


def _gen_anchor_planes():
    base_size, ratios, scales = 16, (0.5, 1, 2), (8, 16, 32)
    anch = []
    for scale in scales:
        for ratio in ratios:
            w = base_size * scale * ratio ** 0.5
            h = base_size * scale / ratio ** 0.5
            anch.append([-w / 2, -h / 2, w / 2, h / 2])
    a = np.array(anch, dtype=np.float32)
    aw = (a[:, 2] - a[:, 0])[None, :]
    ah = (a[:, 3] - a[:, 1])[None, :]
    bcx = (a[:, 0] + 0.5 * aw[0])[None, :]
    bcy = (a[:, 1] + 0.5 * ah[0])[None, :]
    p = np.arange(1024)
    sx = ((p % 32) * 16).astype(np.float32)[:, None]
    sy = ((p // 32) * 16).astype(np.float32)[:, None]
    acx = sx + bcx
    acy = sy + bcy
    return (jnp.asarray(aw), jnp.asarray(ah),
            jnp.asarray(acx), jnp.asarray(acy))


def kernel(features, image_size, conv_w, conv_b, cls_w, cls_b, bbox_w, bbox_b):
    B, C, H, W = features.shape
    X = features.transpose(0, 2, 3, 1).reshape(B, H * W, C)
    Wt = conv_w.transpose(2, 3, 1, 0).reshape(9, C, 256)
    cw = cls_w.reshape(9, 256).T
    bw = bbox_w.reshape(9, 4, 256)
    z7 = jnp.zeros((256, 7), jnp.float32)
    W2 = jnp.concatenate([cw, z7, bw[:, 0].T, z7, bw[:, 1].T, z7,
                          bw[:, 2].T, z7, bw[:, 3].T, z7], axis=1)
    bb = bbox_b.reshape(9, 4)
    z7b = jnp.zeros((7,), jnp.float32)
    b80 = jnp.concatenate([cls_b, z7b, bb[:, 0], z7b, bb[:, 1], z7b,
                           bb[:, 2], z7b, bb[:, 3], z7b])[None, :]
    aw, ah, acx, acy = _gen_anchor_planes()
    img = image_size.astype(jnp.int32)

    sc, x1, y1, x2, y2 = _run_trunk(X, Wt, W2, conv_b[None, :], b80, img,
                                    aw, ah, acx, acy)
    scores = sc.reshape(B, H * W * 9)
    planes = [v.reshape(B, H * W * 9) for v in (x1, y1, x2, y2)]

    tau, keys = _run_tau(scores)
    tau16 = jnp.broadcast_to(tau, (B, 16))

    ssel, isel, sx1, sy1, sx2, sy2 = _run_select(
        scores, keys, planes[0], planes[1], planes[2], planes[3], tau16)
    bc = jnp.stack([sx1, sy1, sx2, sy2], axis=2)
    br = bc.transpose(0, 2, 1)

    return _run_nms(ssel, isel, bc, br)[:, :POST, :]

# --- scband reference (transcript-rebuilt; emitter-appended) ---
"""Pipeline reference for scband-rpn-3856880632072 (READ-ONLY COPY).

The authoritative reference and input builder live on the scoring server;
editing this copy changes nothing except your own understanding.
"""

import jax, jax.numpy as jnp
import numpy as np
from jax import lax

PRE_NMS_TOPK = 600
POST_NMS_TOPK = 100
NMS_THRESH = 0.7


def generate_anchors(base_size=16, ratios=(0.5, 1, 2), scales=(8, 16, 32)):
    anchors = []
    for scale in scales:
        for ratio in ratios:
            w = base_size * scale * ratio ** 0.5
            h = base_size * scale / ratio ** 0.5
            anchors.append([-w / 2, -h / 2, w / 2, h / 2])
    return jnp.asarray(np.array(anchors, dtype=np.float32))


def conv2d(x, w, b, pad):
    out = lax.conv_general_dilated(x, w, window_strides=(1, 1), padding=pad,
                                   dimension_numbers=('NCHW', 'OIHW', 'NCHW'))
    return out + b[None, :, None, None]


def apply_deltas_to_anchors(deltas, anchors):
    widths = anchors[:, 2] - anchors[:, 0]
    heights = anchors[:, 3] - anchors[:, 1]
    ctr_x = anchors[:, 0] + 0.5 * widths
    ctr_y = anchors[:, 1] + 0.5 * heights
    dx, dy, dw, dh = deltas[:, 0], deltas[:, 1], deltas[:, 2], deltas[:, 3]
    pred_ctr_x = ctr_x + dx * widths
    pred_ctr_y = ctr_y + dy * heights
    pred_w = widths * jnp.exp(dw)
    pred_h = heights * jnp.exp(dh)
    return jnp.stack([pred_ctr_x - 0.5 * pred_w,
                      pred_ctr_y - 0.5 * pred_h,
                      pred_ctr_x + 0.5 * pred_w,
                      pred_ctr_y + 0.5 * pred_h], axis=1)


def nms_order_keep(boxes, scores, thresh):
    boxes = lax.stop_gradient(boxes)
    scores = lax.stop_gradient(scores)
    order = jnp.argsort(-scores)
    b = boxes[order]
    x1, y1, x2, y2 = b[:, 0], b[:, 1], b[:, 2], b[:, 3]
    areas = (x2 - x1) * (y2 - y1)
    xx1 = jnp.maximum(x1[:, None], x1[None, :])
    yy1 = jnp.maximum(y1[:, None], y1[None, :])
    xx2 = jnp.minimum(x2[:, None], x2[None, :])
    yy2 = jnp.minimum(y2[:, None], y2[None, :])
    inter = jnp.clip(xx2 - xx1, 0) * jnp.clip(yy2 - yy1, 0)
    union = areas[:, None] + areas[None, :] - inter
    iou = jnp.where(union > 0, inter / jnp.where(union > 0, union, 1.0), 0.0)
    n = boxes.shape[0]
    idxs = jnp.arange(n)
    def body(i, keep):
        suppress = keep[i] & (iou[i] > thresh) & (idxs > i)
        return keep & (~suppress)
    keep = lax.fori_loop(0, n, body, jnp.ones(n, dtype=bool))
    return order, keep


def setup_inputs(seed: int = 0) -> dict:
    key = jax.random.key(seed)
    k1, k2, k3, k4, k5 = jax.random.split(key, 5)
    B, C, H, W = 4, 384, 32, 32
    features = jax.random.normal(k1, (B, C, H, W), dtype=jnp.float32)
    image_size = jax.random.randint(k2, (2,), 0, 512, dtype=jnp.int64 if jax.config.jax_enable_x64 else jnp.int32)
    conv_w = jax.random.normal(k3, (256, C, 3, 3), dtype=jnp.float32) * 0.02
    conv_b = jnp.zeros((256,), dtype=jnp.float32)
    cls_w = jax.random.normal(k4, (9, 256, 1, 1), dtype=jnp.float32) * 0.02
    cls_b = jnp.zeros((9,), dtype=jnp.float32)
    bbox_w = jax.random.normal(k5, (36, 256, 1, 1), dtype=jnp.float32) * 0.02
    bbox_b = jnp.zeros((36,), dtype=jnp.float32)
    return {"features": features, "image_size": image_size,
            "conv_w": conv_w, "conv_b": conv_b,
            "cls_w": cls_w, "cls_b": cls_b,
            "bbox_w": bbox_w, "bbox_b": bbox_b}


def reference(features, image_size, conv_w, conv_b, cls_w, cls_b, bbox_w, bbox_b):
    B, _, H, W = features.shape
    t = jax.nn.relu(conv2d(features, conv_w, conv_b, 'SAME'))
    logits = conv2d(t, cls_w, cls_b, 'VALID')
    bbox_deltas = conv2d(t, bbox_w, bbox_b, 'VALID')
    shift_x = jnp.arange(W) * 16
    shift_y = jnp.arange(H) * 16
    sy, sx = jnp.meshgrid(shift_y, shift_x, indexing='ij')
    shifts = jnp.stack((sx, sy, sx, sy), axis=2).reshape(-1, 4).astype(jnp.float32)
    anchors = generate_anchors()
    anchors_all = (anchors[None, :, :] + shifts[:, None, :]).reshape(-1, 4)
    outs = []
    for b in range(B):
        scores = jnp.transpose(logits[b], (1, 2, 0)).reshape(-1)
        deltas = jnp.transpose(bbox_deltas[b], (1, 2, 0)).reshape(-1, 4)
        proposals = apply_deltas_to_anchors(deltas, anchors_all)
        px = jnp.clip(proposals[:, 0::2], 0, image_size[1])
        py = jnp.clip(proposals[:, 1::2], 0, image_size[0])
        proposals = jnp.stack([px[:, 0], py[:, 0], px[:, 1], py[:, 1]], axis=1)
        top_scores, top_idx = lax.top_k(scores, PRE_NMS_TOPK)
        proposals = proposals[top_idx]
        order, keep = nms_order_keep(proposals, top_scores, NMS_THRESH)
        n = PRE_NMS_TOPK
        pos = jnp.where(keep, jnp.arange(n), n)
        pos_sorted = jnp.sort(pos)[:POST_NMS_TOPK]
        valid = pos_sorted < n
        sel = order[jnp.minimum(pos_sorted, n - 1)]
        kept = proposals[sel] * valid[:, None].astype(proposals.dtype)
        outs.append(kept)
    return jnp.stack(outs, axis=0)

if __name__ == "__main__":
    import jax
    _d = setup_inputs()
    print(jax.jit(kernel)(*tuple(_d.values())))

</pallas_src>

<mosaic_0001>
#map = affine_map<(d0, d1) -> (0, 0)>
module attributes {stable_mosaic.version = 14 : i64} {
  func.func @_select_body(%arg0: i32, %arg1: i32, %arg2: memref<4x9216xf32, #tpu.memory_space<hbm>>, %arg3: memref<4x9216xi32, #tpu.memory_space<hbm>>, %arg4: memref<4x9216xf32, #tpu.memory_space<hbm>>, %arg5: memref<4x9216xf32, #tpu.memory_space<hbm>>, %arg6: memref<4x9216xf32, #tpu.memory_space<hbm>>, %arg7: memref<4x9216xf32, #tpu.memory_space<hbm>>, %arg8: memref<4x16xi32, #tpu.memory_space<hbm>>, %arg9: memref<4x640xf32, #tpu.memory_space<hbm>>, %arg10: memref<4x640xi32, #tpu.memory_space<hbm>>, %arg11: memref<4x640xf32, #tpu.memory_space<hbm>>, %arg12: memref<4x640xf32, #tpu.memory_space<hbm>>, %arg13: memref<4x640xf32, #tpu.memory_space<hbm>>, %arg14: memref<4x640xf32, #tpu.memory_space<hbm>>, %arg15: memref<9216xf32, #tpu.memory_space<vmem>>, %arg16: memref<9216xi32, #tpu.memory_space<vmem>>, %arg17: memref<9216xf32, #tpu.memory_space<vmem>>, %arg18: memref<9216xf32, #tpu.memory_space<vmem>>, %arg19: memref<9216xf32, #tpu.memory_space<vmem>>, %arg20: memref<9216xf32, #tpu.memory_space<vmem>>, %arg21: memref<16xi32, #tpu.memory_space<vmem>>, %arg22: memref<640xf32, #tpu.memory_space<vmem>>, %arg23: memref<640xi32, #tpu.memory_space<vmem>>, %arg24: memref<640xf32, #tpu.memory_space<vmem>>, %arg25: memref<640xf32, #tpu.memory_space<vmem>>, %arg26: memref<640xf32, #tpu.memory_space<vmem>>, %arg27: memref<640xf32, #tpu.memory_space<vmem>>, %arg28: memref<640xf32, #tpu.memory_space<vmem>>, %arg29: memref<640xi32, #tpu.memory_space<vmem>>, %arg30: memref<640xf32, #tpu.memory_space<vmem>>, %arg31: memref<640xf32, #tpu.memory_space<vmem>>, %arg32: memref<640xf32, #tpu.memory_space<vmem>>, %arg33: memref<640xf32, #tpu.memory_space<vmem>>, %arg34: memref<640xf32, #tpu.memory_space<vmem>>, %arg35: memref<640xi32, #tpu.memory_space<vmem>>, %arg36: memref<640xf32, #tpu.memory_space<vmem>>, %arg37: memref<640xf32, #tpu.memory_space<vmem>>, %arg38: memref<640xf32, #tpu.memory_space<vmem>>, %arg39: memref<640xf32, #tpu.memory_space<vmem>>) attributes {dimension_semantics = [#tpu.dimension_semantics<core_parallel>, #tpu.dimension_semantics<subcore_parallel>], iteration_bounds = array<i64: 2, 16>, scalar_prefetch = 0 : i64, scratch_operands = 25 : i64, tpu.core_type = #tpu.core_type<sc_vector_subcore>, window_params = [{transform_indices = #map}, {transform_indices = #map}, {transform_indices = #map}, {transform_indices = #map}, {transform_indices = #map}, {transform_indices = #map}, {transform_indices = #map}, {transform_indices = #map}, {transform_indices = #map}, {transform_indices = #map}, {transform_indices = #map}, {transform_indices = #map}, {transform_indices = #map}]} {
    %mul3A = arith.constant 2 : i32
    %mul3A_0 = arith.muli %arg1, %mul3A : i32
    %add3A = arith.addi %mul3A_0, %arg0 : i32
    %lt3A = arith.constant 4 : i32
    %lt3A_1 = arith.cmpi slt, %add3A, %lt3A : i32
    %convert_element_type3A = arith.extui %lt3A_1 : i1 to i32
    %cond3A = arith.constant 0 : i32
    %cond3A_2 = arith.cmpi ne, %convert_element_type3A, %cond3A : i32
    scf.if %cond3A_2 {
      "tpu.region"() ({
        %run_scoped3A = tpu.sem_alloc : memref<!tpu.dma_semaphore, #tpu.memory_space<semaphore_mem>>
        %dma_start3A = arith.constant 0 : i32
        %dma_start3A_33 = tpu.memref_slice %arg2[%add3A, %dma_start3A] : memref<4x9216xf32, #tpu.memory_space<hbm>> -> memref<1x9216xf32, #tpu.memory_space<hbm>>
        %dma_start3A_34 = tpu.memref_squeeze %dma_start3A_33 : memref<1x9216xf32, #tpu.memory_space<hbm>> -> memref<9216xf32, #tpu.memory_space<hbm>>
        %dma_start3A_35 = arith.constant 0 : i32
        %dma_start3A_36 = tpu.memref_slice %arg2[%add3A, %dma_start3A_35] : memref<4x9216xf32, #tpu.memory_space<hbm>> -> memref<1x9216xf32, #tpu.memory_space<hbm>>
        %dma_start3A_37 = tpu.memref_squeeze %dma_start3A_36 : memref<1x9216xf32, #tpu.memory_space<hbm>> -> memref<9216xf32, #tpu.memory_space<hbm>>
        tpu.enqueue_dma source(%dma_start3A_37 : memref<9216xf32, #tpu.memory_space<hbm>>) target(%arg15 : memref<9216xf32, #tpu.memory_space<vmem>>) target_semaphore(%run_scoped3A : memref<!tpu.dma_semaphore, #tpu.memory_space<semaphore_mem>>)
        %dma_wait3A = arith.constant 0 : i32
        %dma_wait3A_38 = tpu.memref_slice %arg2[%add3A, %dma_wait3A] : memref<4x9216xf32, #tpu.memory_space<hbm>> -> memref<1x9216xf32, #tpu.memory_space<hbm>>
        %dma_wait3A_39 = tpu.memref_squeeze %dma_wait3A_38 : memref<1x9216xf32, #tpu.memory_space<hbm>> -> memref<9216xf32, #tpu.memory_space<hbm>>
        %dma_wait3A_40 = arith.constant 0 : i32
        %dma_wait3A_41 = tpu.memref_slice %arg2[%add3A, %dma_wait3A_40] : memref<4x9216xf32, #tpu.memory_space<hbm>> -> memref<1x9216xf32, #tpu.memory_space<hbm>>
        %dma_wait3A_42 = tpu.memref_squeeze %dma_wait3A_41 : memref<1x9216xf32, #tpu.memory_space<hbm>> -> memref<9216xf32, #tpu.memory_space<hbm>>
        tpu.wait_dma2 semaphore(%run_scoped3A : memref<!tpu.dma_semaphore, #tpu.memory_space<semaphore_mem>>) src(%dma_wait3A_42 : memref<9216xf32, #tpu.memory_space<hbm>>) dst(%arg15 : memref<9216xf32, #tpu.memory_space<vmem>>)
        tpu.yield
      }) : () -> ()
      "tpu.region"() ({
        %run_scoped3A = tpu.sem_alloc : memref<!tpu.dma_semaphore, #tpu.memory_space<semaphore_mem>>
        %dma_start3A = arith.constant 0 : i32
        %dma_start3A_33 = tpu.memref_slice %arg3[%add3A, %dma_start3A] : memref<4x9216xi32, #tpu.memory_space<hbm>> -> memref<1x9216xi32, #tpu.memory_space<hbm>>
        %dma_start3A_34 = tpu.memref_squeeze %dma_start3A_33 : memref<1x9216xi32, #tpu.memory_space<hbm>> -> memref<9216xi32, #tpu.memory_space<hbm>>
        %dma_start3A_35 = arith.constant 0 : i32
        %dma_start3A_36 = tpu.memref_slice %arg3[%add3A, %dma_start3A_35] : memref<4x9216xi32, #tpu.memory_space<hbm>> -> memref<1x9216xi32, #tpu.memory_space<hbm>>
        %dma_start3A_37 = tpu.memref_squeeze %dma_start3A_36 : memref<1x9216xi32, #tpu.memory_space<hbm>> -> memref<9216xi32, #tpu.memory_space<hbm>>
        tpu.enqueue_dma source(%dma_start3A_37 : memref<9216xi32, #tpu.memory_space<hbm>>) target(%arg16 : memref<9216xi32, #tpu.memory_space<vmem>>) target_semaphore(%run_scoped3A : memref<!tpu.dma_semaphore, #tpu.memory_space<semaphore_mem>>)
        %dma_wait3A = arith.constant 0 : i32
        %dma_wait3A_38 = tpu.memref_slice %arg3[%add3A, %dma_wait3A] : memref<4x9216xi32, #tpu.memory_space<hbm>> -> memref<1x9216xi32, #tpu.memory_space<hbm>>
        %dma_wait3A_39 = tpu.memref_squeeze %dma_wait3A_38 : memref<1x9216xi32, #tpu.memory_space<hbm>> -> memref<9216xi32, #tpu.memory_space<hbm>>
        %dma_wait3A_40 = arith.constant 0 : i32
        %dma_wait3A_41 = tpu.memref_slice %arg3[%add3A, %dma_wait3A_40] : memref<4x9216xi32, #tpu.memory_space<hbm>> -> memref<1x9216xi32, #tpu.memory_space<hbm>>
        %dma_wait3A_42 = tpu.memref_squeeze %dma_wait3A_41 : memref<1x9216xi32, #tpu.memory_space<hbm>> -> memref<9216xi32, #tpu.memory_space<hbm>>
        tpu.wait_dma2 semaphore(%run_scoped3A : memref<!tpu.dma_semaphore, #tpu.memory_space<semaphore_mem>>) src(%dma_wait3A_42 : memref<9216xi32, #tpu.memory_space<hbm>>) dst(%arg16 : memref<9216xi32, #tpu.memory_space<vmem>>)
        tpu.yield
      }) : () -> ()
      "tpu.region"() ({
        %run_scoped3A = tpu.sem_alloc : memref<!tpu.dma_semaphore, #tpu.memory_space<semaphore_mem>>
        %dma_start3A = arith.constant 0 : i32
        %dma_start3A_33 = tpu.memref_slice %arg4[%add3A, %dma_start3A] : memref<4x9216xf32, #tpu.memory_space<hbm>> -> memref<1x9216xf32, #tpu.memory_space<hbm>>
        %dma_start3A_34 = tpu.memref_squeeze %dma_start3A_33 : memref<1x9216xf32, #tpu.memory_space<hbm>> -> memref<9216xf32, #tpu.memory_space<hbm>>
        %dma_start3A_35 = arith.constant 0 : i32
        %dma_start3A_36 = tpu.memref_slice %arg4[%add3A, %dma_start3A_35] : memref<4x9216xf32, #tpu.memory_space<hbm>> -> memref<1x9216xf32, #tpu.memory_space<hbm>>
        %dma_start3A_37 = tpu.memref_squeeze %dma_start3A_36 : memref<1x9216xf32, #tpu.memory_space<hbm>> -> memref<9216xf32, #tpu.memory_space<hbm>>
        tpu.enqueue_dma source(%dma_start3A_37 : memref<9216xf32, #tpu.memory_space<hbm>>) target(%arg17 : memref<9216xf32, #tpu.memory_space<vmem>>) target_semaphore(%run_scoped3A : memref<!tpu.dma_semaphore, #tpu.memory_space<semaphore_mem>>)
        %dma_wait3A = arith.constant 0 : i32
        %dma_wait3A_38 = tpu.memref_slice %arg4[%add3A, %dma_wait3A] : memref<4x9216xf32, #tpu.memory_space<hbm>> -> memref<1x9216xf32, #tpu.memory_space<hbm>>
        %dma_wait3A_39 = tpu.memref_squeeze %dma_wait3A_38 : memref<1x9216xf32, #tpu.memory_space<hbm>> -> memref<9216xf32, #tpu.memory_space<hbm>>
        %dma_wait3A_40 = arith.constant 0 : i32
        %dma_wait3A_41 = tpu.memref_slice %arg4[%add3A, %dma_wait3A_40] : memref<4x9216xf32, #tpu.memory_space<hbm>> -> memref<1x9216xf32, #tpu.memory_space<hbm>>
        %dma_wait3A_42 = tpu.memref_squeeze %dma_wait3A_41 : memref<1x9216xf32, #tpu.memory_space<hbm>> -> memref<9216xf32, #tpu.memory_space<hbm>>
        tpu.wait_dma2 semaphore(%run_scoped3A : memref<!tpu.dma_semaphore, #tpu.memory_space<semaphore_mem>>) src(%dma_wait3A_42 : memref<9216xf32, #tpu.memory_space<hbm>>) dst(%arg17 : memref<9216xf32, #tpu.memory_space<vmem>>)
        tpu.yield
      }) : () -> ()
      "tpu.region"() ({
        %run_scoped3A = tpu.sem_alloc : memref<!tpu.dma_semaphore, #tpu.memory_space<semaphore_mem>>
        %dma_start3A = arith.constant 0 : i32
        %dma_start3A_33 = tpu.memref_slice %arg5[%add3A, %dma_start3A] : memref<4x9216xf32, #tpu.memory_space<hbm>> -> memref<1x9216xf32, #tpu.memory_space<hbm>>
        %dma_start3A_34 = tpu.memref_squeeze %dma_start3A_33 : memref<1x9216xf32, #tpu.memory_space<hbm>> -> memref<9216xf32, #tpu.memory_space<hbm>>
        %dma_start3A_35 = arith.constant 0 : i32
        %dma_start3A_36 = tpu.memref_slice %arg5[%add3A, %dma_start3A_35] : memref<4x9216xf32, #tpu.memory_space<hbm>> -> memref<1x9216xf32, #tpu.memory_space<hbm>>
        %dma_start3A_37 = tpu.memref_squeeze %dma_start3A_36 : memref<1x9216xf32, #tpu.memory_space<hbm>> -> memref<9216xf32, #tpu.memory_space<hbm>>
        tpu.enqueue_dma source(%dma_start3A_37 : memref<9216xf32, #tpu.memory_space<hbm>>) target(%arg18 : memref<9216xf32, #tpu.memory_space<vmem>>) target_semaphore(%run_scoped3A : memref<!tpu.dma_semaphore, #tpu.memory_space<semaphore_mem>>)
        %dma_wait3A = arith.constant 0 : i32
        %dma_wait3A_38 = tpu.memref_slice %arg5[%add3A, %dma_wait3A] : memref<4x9216xf32, #tpu.memory_space<hbm>> -> memref<1x9216xf32, #tpu.memory_space<hbm>>
        %dma_wait3A_39 = tpu.memref_squeeze %dma_wait3A_38 : memref<1x9216xf32, #tpu.memory_space<hbm>> -> memref<9216xf32, #tpu.memory_space<hbm>>
        %dma_wait3A_40 = arith.constant 0 : i32
        %dma_wait3A_41 = tpu.memref_slice %arg5[%add3A, %dma_wait3A_40] : memref<4x9216xf32, #tpu.memory_space<hbm>> -> memref<1x9216xf32, #tpu.memory_space<hbm>>
        %dma_wait3A_42 = tpu.memref_squeeze %dma_wait3A_41 : memref<1x9216xf32, #tpu.memory_space<hbm>> -> memref<9216xf32, #tpu.memory_space<hbm>>
        tpu.wait_dma2 semaphore(%run_scoped3A : memref<!tpu.dma_semaphore, #tpu.memory_space<semaphore_mem>>) src(%dma_wait3A_42 : memref<9216xf32, #tpu.memory_space<hbm>>) dst(%arg18 : memref<9216xf32, #tpu.memory_space<vmem>>)
        tpu.yield
      }) : () -> ()
      "tpu.region"() ({
        %run_scoped3A = tpu.sem_alloc : memref<!tpu.dma_semaphore, #tpu.memory_space<semaphore_mem>>
        %dma_start3A = arith.constant 0 : i32
        %dma_start3A_33 = tpu.memref_slice %arg6[%add3A, %dma_start3A] : memref<4x9216xf32, #tpu.memory_space<hbm>> -> memref<1x9216xf32, #tpu.memory_space<hbm>>
        %dma_start3A_34 = tpu.memref_squeeze %dma_start3A_33 : memref<1x9216xf32, #tpu.memory_space<hbm>> -> memref<9216xf32, #tpu.memory_space<hbm>>
        %dma_start3A_35 = arith.constant 0 : i32
        %dma_start3A_36 = tpu.memref_slice %arg6[%add3A, %dma_start3A_35] : memref<4x9216xf32, #tpu.memory_space<hbm>> -> memref<1x9216xf32, #tpu.memory_space<hbm>>
        %dma_start3A_37 = tpu.memref_squeeze %dma_start3A_36 : memref<1x9216xf32, #tpu.memory_space<hbm>> -> memref<9216xf32, #tpu.memory_space<hbm>>
        tpu.enqueue_dma source(%dma_start3A_37 : memref<9216xf32, #tpu.memory_space<hbm>>) target(%arg19 : memref<9216xf32, #tpu.memory_space<vmem>>) target_semaphore(%run_scoped3A : memref<!tpu.dma_semaphore, #tpu.memory_space<semaphore_mem>>)
        %dma_wait3A = arith.constant 0 : i32
        %dma_wait3A_38 = tpu.memref_slice %arg6[%add3A, %dma_wait3A] : memref<4x9216xf32, #tpu.memory_space<hbm>> -> memref<1x9216xf32, #tpu.memory_space<hbm>>
        %dma_wait3A_39 = tpu.memref_squeeze %dma_wait3A_38 : memref<1x9216xf32, #tpu.memory_space<hbm>> -> memref<9216xf32, #tpu.memory_space<hbm>>
        %dma_wait3A_40 = arith.constant 0 : i32
        %dma_wait3A_41 = tpu.memref_slice %arg6[%add3A, %dma_wait3A_40] : memref<4x9216xf32, #tpu.memory_space<hbm>> -> memref<1x9216xf32, #tpu.memory_space<hbm>>
        %dma_wait3A_42 = tpu.memref_squeeze %dma_wait3A_41 : memref<1x9216xf32, #tpu.memory_space<hbm>> -> memref<9216xf32, #tpu.memory_space<hbm>>
        tpu.wait_dma2 semaphore(%run_scoped3A : memref<!tpu.dma_semaphore, #tpu.memory_space<semaphore_mem>>) src(%dma_wait3A_42 : memref<9216xf32, #tpu.memory_space<hbm>>) dst(%arg19 : memref<9216xf32, #tpu.memory_space<vmem>>)
        tpu.yield
      }) : () -> ()
      "tpu.region"() ({
        %run_scoped3A = tpu.sem_alloc : memref<!tpu.dma_semaphore, #tpu.memory_space<semaphore_mem>>
        %dma_start3A = arith.constant 0 : i32
        %dma_start3A_33 = tpu.memref_slice %arg7[%add3A, %dma_start3A] : memref<4x9216xf32, #tpu.memory_space<hbm>> -> memref<1x9216xf32, #tpu.memory_space<hbm>>
        %dma_start3A_34 = tpu.memref_squeeze %dma_start3A_33 : memref<1x9216xf32, #tpu.memory_space<hbm>> -> memref<9216xf32, #tpu.memory_space<hbm>>
        %dma_start3A_35 = arith.constant 0 : i32
        %dma_start3A_36 = tpu.memref_slice %arg7[%add3A, %dma_start3A_35] : memref<4x9216xf32, #tpu.memory_space<hbm>> -> memref<1x9216xf32, #tpu.memory_space<hbm>>
        %dma_start3A_37 = tpu.memref_squeeze %dma_start3A_36 : memref<1x9216xf32, #tpu.memory_space<hbm>> -> memref<9216xf32, #tpu.memory_space<hbm>>
        tpu.enqueue_dma source(%dma_start3A_37 : memref<9216xf32, #tpu.memory_space<hbm>>) target(%arg20 : memref<9216xf32, #tpu.memory_space<vmem>>) target_semaphore(%run_scoped3A : memref<!tpu.dma_semaphore, #tpu.memory_space<semaphore_mem>>)
        %dma_wait3A = arith.constant 0 : i32
        %dma_wait3A_38 = tpu.memref_slice %arg7[%add3A, %dma_wait3A] : memref<4x9216xf32, #tpu.memory_space<hbm>> -> memref<1x9216xf32, #tpu.memory_space<hbm>>
        %dma_wait3A_39 = tpu.memref_squeeze %dma_wait3A_38 : memref<1x9216xf32, #tpu.memory_space<hbm>> -> memref<9216xf32, #tpu.memory_space<hbm>>
        %dma_wait3A_40 = arith.constant 0 : i32
        %dma_wait3A_41 = tpu.memref_slice %arg7[%add3A, %dma_wait3A_40] : memref<4x9216xf32, #tpu.memory_space<hbm>> -> memref<1x9216xf32, #tpu.memory_space<hbm>>
        %dma_wait3A_42 = tpu.memref_squeeze %dma_wait3A_41 : memref<1x9216xf32, #tpu.memory_space<hbm>> -> memref<9216xf32, #tpu.memory_space<hbm>>
        tpu.wait_dma2 semaphore(%run_scoped3A : memref<!tpu.dma_semaphore, #tpu.memory_space<semaphore_mem>>) src(%dma_wait3A_42 : memref<9216xf32, #tpu.memory_space<hbm>>) dst(%arg20 : memref<9216xf32, #tpu.memory_space<vmem>>)
        tpu.yield
      }) : () -> ()
      "tpu.region"() ({
        %run_scoped3A = tpu.sem_alloc : memref<!tpu.dma_semaphore, #tpu.memory_space<semaphore_mem>>
        %dma_start3A = arith.constant 0 : i32
        %dma_start3A_33 = tpu.memref_slice %arg8[%add3A, %dma_start3A] : memref<4x16xi32, #tpu.memory_space<hbm>> -> memref<1x16xi32, #tpu.memory_space<hbm>>
        %dma_start3A_34 = tpu.memref_squeeze %dma_start3A_33 : memref<1x16xi32, #tpu.memory_space<hbm>> -> memref<16xi32, #tpu.memory_space<hbm>>
        %dma_start3A_35 = arith.constant 0 : i32
        %dma_start3A_36 = tpu.memref_slice %arg8[%add3A, %dma_start3A_35] : memref<4x16xi32, #tpu.memory_space<hbm>> -> memref<1x16xi32, #tpu.memory_space<hbm>>
        %dma_start3A_37 = tpu.memref_squeeze %dma_start3A_36 : memref<1x16xi32, #tpu.memory_space<hbm>> -> memref<16xi32, #tpu.memory_space<hbm>>
        tpu.enqueue_dma source(%dma_start3A_37 : memref<16xi32, #tpu.memory_space<hbm>>) target(%arg21 : memref<16xi32, #tpu.memory_space<vmem>>) target_semaphore(%run_scoped3A : memref<!tpu.dma_semaphore, #tpu.memory_space<semaphore_mem>>)
        %dma_wait3A = arith.constant 0 : i32
        %dma_wait3A_38 = tpu.memref_slice %arg8[%add3A, %dma_wait3A] : memref<4x16xi32, #tpu.memory_space<hbm>> -> memref<1x16xi32, #tpu.memory_space<hbm>>
        %dma_wait3A_39 = tpu.memref_squeeze %dma_wait3A_38 : memref<1x16xi32, #tpu.memory_space<hbm>> -> memref<16xi32, #tpu.memory_space<hbm>>
        %dma_wait3A_40 = arith.constant 0 : i32
        %dma_wait3A_41 = tpu.memref_slice %arg8[%add3A, %dma_wait3A_40] : memref<4x16xi32, #tpu.memory_space<hbm>> -> memref<1x16xi32, #tpu.memory_space<hbm>>
        %dma_wait3A_42 = tpu.memref_squeeze %dma_wait3A_41 : memref<1x16xi32, #tpu.memory_space<hbm>> -> memref<16xi32, #tpu.memory_space<hbm>>
        tpu.wait_dma2 semaphore(%run_scoped3A : memref<!tpu.dma_semaphore, #tpu.memory_space<semaphore_mem>>) src(%dma_wait3A_42 : memref<16xi32, #tpu.memory_space<hbm>>) dst(%arg21 : memref<16xi32, #tpu.memory_space<vmem>>)
        tpu.yield
      }) : () -> ()
      %get3A = arith.constant 0 : index
      %get3A_3 = tpu.vector_load %arg21[%get3A] {strides = array<i32>} : memref<16xi32, #tpu.memory_space<vmem>>, vector<16xi32>,
      %iota3A = tpu.iota {dimensions = array<i32: 0>} : vector<16xi32>
      %scan3A = arith.constant 0 : i32
      %scan3A_4 = arith.constant 0 : i32
      %scan3A_5 = arith.constant 0 : i32
      %scan3A_6 = arith.constant 576 : i32
      %scan3A_7 = arith.addi %scan3A_5, %scan3A_6 : i32
      %scan3A_8 = arith.constant 1 : i32
      %scan3A_9:2 = scf.for %scan3A_33 = %scan3A_5 to %scan3A_7 step %scan3A_8 iter_args(%scan3A_34 = %scan3A, %scan3A_35 = %scan3A_4) -> (i32, i32)  : i32 {
        %mul3A_36 = arith.constant 16 : i32
        %mul3A_37 = arith.muli %scan3A_33, %mul3A_36 : i32
        %get3A_38 = arith.index_cast %mul3A_37 : i32 to index
        %get3A_39 = tpu.vector_load %arg15[%get3A_38] {strides = array<i32>} : memref<9216xf32, #tpu.memory_space<vmem>>, vector<16xf32>,
        %mul3A_40 = arith.constant 16 : i32
        %mul3A_41 = arith.muli %scan3A_33, %mul3A_40 : i32
        %get3A_42 = arith.index_cast %mul3A_41 : i32 to index
        %get3A_43 = tpu.vector_load %arg16[%get3A_42] {strides = array<i32>} : memref<9216xi32, #tpu.memory_space<vmem>>, vector<16xi32>,
        %gt3A = arith.cmpi sgt, %get3A_43, %get3A_3 : vector<16xi32>
        %eq3A = arith.cmpi eq, %get3A_43, %get3A_3 : vector<16xi32>
        %convert_element_type3A_44 = arith.extui %gt3A : vector<16xi1> to vector<16xi32>
        %convert_element_type3A_45 = arith.extui %eq3A : vector<16xi1> to vector<16xi32>
        %broadcast_in_dim3A = arith.constant true
        %broadcast_in_dim3A_46 = vector.broadcast %broadcast_in_dim3A : i1 to vector<16xi1>
        %masked_cumsum3A = tpu.scan <sum>, %convert_element_type3A_44 masked %broadcast_in_dim3A_46 : vector<16xi32>, vector<16xi1> -> vector<16xi32>
        %broadcast_in_dim3A_47 = arith.constant true
        %broadcast_in_dim3A_48 = vector.broadcast %broadcast_in_dim3A_47 : i1 to vector<16xi1>
        %masked_cumsum3A_49 = tpu.scan <sum>, %convert_element_type3A_45 masked %broadcast_in_dim3A_48 : vector<16xi32>, vector<16xi1> -> vector<16xi32>
        %sub3A_50 = arith.subi %masked_cumsum3A, %convert_element_type3A_44 : vector<16xi32>
        %add3A_51 = vector.broadcast %scan3A_34 : i32 to vector<16xi32>
        %add3A_52 = arith.addi %add3A_51, %sub3A_50 : vector<16xi32>
        %sub3A_53 = arith.subi %masked_cumsum3A_49, %convert_element_type3A_45 : vector<16xi32>
        %add3A_54 = vector.broadcast %scan3A_35 : i32 to vector<16xi32>
        %add3A_55 = arith.addi %add3A_54, %sub3A_53 : vector<16xi32>
        %mul3A_56 = arith.constant 16 : i32
        %mul3A_57 = arith.muli %scan3A_33, %mul3A_56 : i32
        %add3A_58 = vector.broadcast %mul3A_57 : i32 to vector<16xi32>
        %add3A_59 = arith.addi %add3A_58, %iota3A : vector<16xi32>
        %lt3A_60 = arith.constant 640 : i32
        %lt3A_61 = vector.broadcast %lt3A_60 : i32 to vector<16xi32>
        %lt3A_62 = arith.cmpi slt, %add3A_52, %lt3A_61 : vector<16xi32>
        %and3A = arith.andi %gt3A, %lt3A_62 : vector<16xi1>
        %lt3A_63 = arith.constant 640 : i32
        %lt3A_64 = vector.broadcast %lt3A_63 : i32 to vector<16xi32>
        %lt3A_65 = arith.cmpi slt, %add3A_55, %lt3A_64 : vector<16xi32>
        %and3A_66 = arith.andi %eq3A, %lt3A_65 : vector<16xi1>
        tpu.vector_store_idx %arg22[%add3A_52], %get3A_39 masked %and3A : memref<640xf32, #tpu.memory_space<vmem>>[vector<16xi32>], vector<16xf32>, vector<16xi1>
        tpu.vector_store_idx %arg23[%add3A_52], %add3A_59 masked %and3A : memref<640xi32, #tpu.memory_space<vmem>>[vector<16xi32>], vector<16xi32>, vector<16xi1>
        %mul3A_67 = arith.constant 16 : i32
        %mul3A_68 = arith.muli %scan3A_33, %mul3A_67 : i32
        %get3A_69 = arith.index_cast %mul3A_68 : i32 to index
        %get3A_70 = tpu.vector_load %arg17[%get3A_69] {strides = array<i32>} : memref<9216xf32, #tpu.memory_space<vmem>>, vector<16xf32>,
        tpu.vector_store_idx %arg24[%add3A_52], %get3A_70 masked %and3A : memref<640xf32, #tpu.memory_space<vmem>>[vector<16xi32>], vector<16xf32>, vector<16xi1>
        %mul3A_71 = arith.constant 16 : i32
        %mul3A_72 = arith.muli %scan3A_33, %mul3A_71 : i32
        %get3A_73 = arith.index_cast %mul3A_72 : i32 to index
        %get3A_74 = tpu.vector_load %arg18[%get3A_73] {strides = array<i32>} : memref<9216xf32, #tpu.memory_space<vmem>>, vector<16xf32>,
        tpu.vector_store_idx %arg25[%add3A_52], %get3A_74 masked %and3A : memref<640xf32, #tpu.memory_space<vmem>>[vector<16xi32>], vector<16xf32>, vector<16xi1>
        %mul3A_75 = arith.constant 16 : i32
        %mul3A_76 = arith.muli %scan3A_33, %mul3A_75 : i32
        %get3A_77 = arith.index_cast %mul3A_76 : i32 to index
        %get3A_78 = tpu.vector_load %arg19[%get3A_77] {strides = array<i32>} : memref<9216xf32, #tpu.memory_space<vmem>>, vector<16xf32>,
        tpu.vector_store_idx %arg26[%add3A_52], %get3A_78 masked %and3A : memref<640xf32, #tpu.memory_space<vmem>>[vector<16xi32>], vector<16xf32>, vector<16xi1>
        %mul3A_79 = arith.constant 16 : i32
        %mul3A_80 = arith.muli %scan3A_33, %mul3A_79 : i32
        %get3A_81 = arith.index_cast %mul3A_80 : i32 to index
        %get3A_82 = tpu.vector_load %arg20[%get3A_81] {strides = array<i32>} : memref<9216xf32, #tpu.memory_space<vmem>>, vector<16xf32>,
        tpu.vector_store_idx %arg27[%add3A_52], %get3A_82 masked %and3A : memref<640xf32, #tpu.memory_space<vmem>>[vector<16xi32>], vector<16xf32>, vector<16xi1>
        tpu.vector_store_idx %arg28[%add3A_55], %get3A_39 masked %and3A_66 : memref<640xf32, #tpu.memory_space<vmem>>[vector<16xi32>], vector<16xf32>, vector<16xi1>
        tpu.vector_store_idx %arg29[%add3A_55], %add3A_59 masked %and3A_66 : memref<640xi32, #tpu.memory_space<vmem>>[vector<16xi32>], vector<16xi32>, vector<16xi1>
        %mul3A_83 = arith.constant 16 : i32
        %mul3A_84 = arith.muli %scan3A_33, %mul3A_83 : i32
        %get3A_85 = arith.index_cast %mul3A_84 : i32 to index
        %get3A_86 = tpu.vector_load %arg17[%get3A_85] {strides = array<i32>} : memref<9216xf32, #tpu.memory_space<vmem>>, vector<16xf32>,
        tpu.vector_store_idx %arg30[%add3A_55], %get3A_86 masked %and3A_66 : memref<640xf32, #tpu.memory_space<vmem>>[vector<16xi32>], vector<16xf32>, vector<16xi1>
        %mul3A_87 = arith.constant 16 : i32
        %mul3A_88 = arith.muli %scan3A_33, %mul3A_87 : i32
        %get3A_89 = arith.index_cast %mul3A_88 : i32 to index
        %get3A_90 = tpu.vector_load %arg18[%get3A_89] {strides = array<i32>} : memref<9216xf32, #tpu.memory_space<vmem>>, vector<16xf32>,
        tpu.vector_store_idx %arg31[%add3A_55], %get3A_90 masked %and3A_66 : memref<640xf32, #tpu.memory_space<vmem>>[vector<16xi32>], vector<16xf32>, vector<16xi1>
        %mul3A_91 = arith.constant 16 : i32
        %mul3A_92 = arith.muli %scan3A_33, %mul3A_91 : i32
        %get3A_93 = arith.index_cast %mul3A_92 : i32 to index
        %get3A_94 = tpu.vector_load %arg19[%get3A_93] {strides = array<i32>} : memref<9216xf32, #tpu.memory_space<vmem>>, vector<16xf32>,
        tpu.vector_store_idx %arg32[%add3A_55], %get3A_94 masked %and3A_66 : memref<640xf32, #tpu.memory_space<vmem>>[vector<16xi32>], vector<16xf32>, vector<16xi1>
        %mul3A_95 = arith.constant 16 : i32
        %mul3A_96 = arith.muli %scan3A_33, %mul3A_95 : i32
        %get3A_97 = arith.index_cast %mul3A_96 : i32 to index
        %get3A_98 = tpu.vector_load %arg20[%get3A_97] {strides = array<i32>} : memref<9216xf32, #tpu.memory_space<vmem>>, vector<16xf32>,
        tpu.vector_store_idx %arg33[%add3A_55], %get3A_98 masked %and3A_66 : memref<640xf32, #tpu.memory_space<vmem>>[vector<16xi32>], vector<16xf32>, vector<16xi1>
        %reduce_sum3A = arith.constant true
        %reduce_sum3A_99 = vector.broadcast %reduce_sum3A : i1 to vector<16xi1>
        %reduce_sum3A_100 = tpu.scan <sum>, %convert_element_type3A_44 masked %reduce_sum3A_99 : vector<16xi32>, vector<16xi1> -> vector<16xi32>
        %reduce_sum3A_101 = vector.extract %reduce_sum3A_100[15] : i32 from vector<16xi32>
        %add3A_102 = arith.addi %scan3A_34, %reduce_sum3A_101 : i32
        %reduce_sum3A_103 = arith.constant true
        %reduce_sum3A_104 = vector.broadcast %reduce_sum3A_103 : i1 to vector<16xi1>
        %reduce_sum3A_105 = tpu.scan <sum>, %convert_element_type3A_45 masked %reduce_sum3A_104 : vector<16xi32>, vector<16xi1> -> vector<16xi32>
        %reduce_sum3A_106 = vector.extract %reduce_sum3A_105[15] : i32 from vector<16xi32>
        %add3A_107 = arith.addi %scan3A_35, %reduce_sum3A_106 : i32
        scf.yield %add3A_102, %add3A_107 : i32, i32
      }
      %scan3A_10 = arith.constant 576 : i32
      %scan3A_11 = arith.constant 0 : i32
      %scan3A_12 = arith.constant 0 : i32
      %scan3A_13 = arith.constant 40 : i32
      %scan3A_14 = arith.addi %scan3A_12, %scan3A_13 : i32
      %scan3A_15 = arith.constant 1 : i32
      %scan3A_16 = scf.for %scan3A_33 = %scan3A_12 to %scan3A_14 step %scan3A_15 iter_args(%scan3A_34 = %scan3A_11) -> (i32)  : i32 {
        %mul3A_35 = arith.constant 16 : i32
        %mul3A_36 = arith.muli %scan3A_33, %mul3A_35 : i32
        %mul3A_37 = arith.constant 16 : i32
        %mul3A_38 = arith.muli %scan3A_33, %mul3A_37 : i32
        %add3A_39 = vector.broadcast %mul3A_38 : i32 to vector<16xi32>
        %add3A_40 = arith.addi %add3A_39, %iota3A : vector<16xi32>
        %broadcast_in_dim3A = arith.constant 0xFF800000 : f32
        %broadcast_in_dim3A_41 = vector.broadcast %broadcast_in_dim3A : f32 to vector<16xf32>
        %swap3A = arith.index_cast %mul3A_36 : i32 to index
        %swap3A_42 = tpu.vector_load %arg34[%swap3A] {strides = array<i32>} : memref<640xf32, #tpu.memory_space<vmem>>, vector<16xf32>,
        tpu.vector_store %arg34[%swap3A], %broadcast_in_dim3A_41 {strides = array<i32>} : memref<640xf32, #tpu.memory_space<vmem>>, vector<16xf32>,
        %add3A_43 = arith.constant 4194304 : i32
        %add3A_44 = vector.broadcast %add3A_43 : i32 to vector<16xi32>
        %add3A_45 = arith.addi %add3A_44, %add3A_40 : vector<16xi32>
        %swap3A_46 = arith.index_cast %mul3A_36 : i32 to index
        %swap3A_47 = tpu.vector_load %arg35[%swap3A_46] {strides = array<i32>} : memref<640xi32, #tpu.memory_space<vmem>>, vector<16xi32>,
        tpu.vector_store %arg35[%swap3A_46], %add3A_45 {strides = array<i32>} : memref<640xi32, #tpu.memory_space<vmem>>, vector<16xi32>,
        %broadcast_in_dim3A_48 = arith.constant 0.000000e+00 : f32
        %broadcast_in_dim3A_49 = vector.broadcast %broadcast_in_dim3A_48 : f32 to vector<16xf32>
        %swap3A_50 = arith.index_cast %mul3A_36 : i32 to index
        %swap3A_51 = tpu.vector_load %arg36[%swap3A_50] {strides = array<i32>} : memref<640xf32, #tpu.memory_space<vmem>>, vector<16xf32>,
        tpu.vector_store %arg36[%swap3A_50], %broadcast_in_dim3A_49 {strides = array<i32>} : memref<640xf32, #tpu.memory_space<vmem>>, vector<16xf32>,
        %swap3A_52 = arith.index_cast %mul3A_36 : i32 to index
        %swap3A_53 = tpu.vector_load %arg37[%swap3A_52] {strides = array<i32>} : memref<640xf32, #tpu.memory_space<vmem>>, vector<16xf32>,
        tpu.vector_store %arg37[%swap3A_52], %broadcast_in_dim3A_49 {strides = array<i32>} : memref<640xf32, #tpu.memory_space<vmem>>, vector<16xf32>,
        %swap3A_54 = arith.index_cast %mul3A_36 : i32 to index
        %swap3A_55 = tpu.vector_load %arg38[%swap3A_54] {strides = array<i32>} : memref<640xf32, #tpu.memory_space<vmem>>, vector<16xf32>,
        tpu.vector_store %arg38[%swap3A_54], %broadcast_in_dim3A_49 {strides = array<i32>} : memref<640xf32, #tpu.memory_space<vmem>>, vector<16xf32>,
        %swap3A_56 = arith.index_cast %mul3A_36 : i32 to index
        %swap3A_57 = tpu.vector_load %arg39[%swap3A_56] {strides = array<i32>} : memref<640xf32, #tpu.memory_space<vmem>>, vector<16xf32>,
        tpu.vector_store %arg39[%swap3A_56], %broadcast_in_dim3A_49 {strides = array<i32>} : memref<640xf32, #tpu.memory_space<vmem>>, vector<16xf32>,
        %scan3A_58 = arith.constant 0 : i32
        scf.yield %scan3A_58 : i32
      }
      %scan3A_17 = arith.constant 40 : i32
      %scan3A_18 = arith.constant 0 : i32
      %scan3A_19 = arith.constant 0 : i32
      %scan3A_20 = arith.constant 40 : i32
      %scan3A_21 = arith.addi %scan3A_19, %scan3A_20 : i32
      %scan3A_22 = arith.constant 1 : i32
      %scan3A_23 = scf.for %scan3A_33 = %scan3A_19 to %scan3A_21 step %scan3A_22 iter_args(%scan3A_34 = %scan3A_18) -> (i32)  : i32 {
        %mul3A_35 = arith.constant 16 : i32
        %mul3A_36 = arith.muli %scan3A_33, %mul3A_35 : i32
        %mul3A_37 = arith.constant 16 : i32
        %mul3A_38 = arith.muli %scan3A_33, %mul3A_37 : i32
        %add3A_39 = vector.broadcast %mul3A_38 : i32 to vector<16xi32>
        %add3A_40 = arith.addi %add3A_39, %iota3A : vector<16xi32>
        %lt3A_41 = vector.broadcast %scan3A_9#0 : i32 to vector<16xi32>
        %lt3A_42 = arith.cmpi slt, %add3A_40, %lt3A_41 : vector<16xi32>
        %get3A_43 = arith.index_cast %mul3A_36 : i32 to index
        %get3A_44 = tpu.vector_load %arg22[%get3A_43] {strides = array<i32>} : memref<640xf32, #tpu.memory_space<vmem>>, vector<16xf32>,
        tpu.vector_store_idx %arg34[%add3A_40], %get3A_44 masked %lt3A_42 : memref<640xf32, #tpu.memory_space<vmem>>[vector<16xi32>], vector<16xf32>, vector<16xi1>
        %get3A_45 = arith.index_cast %mul3A_36 : i32 to index
        %get3A_46 = tpu.vector_load %arg23[%get3A_45] {strides = array<i32>} : memref<640xi32, #tpu.memory_space<vmem>>, vector<16xi32>,
        tpu.vector_store_idx %arg35[%add3A_40], %get3A_46 masked %lt3A_42 : memref<640xi32, #tpu.memory_space<vmem>>[vector<16xi32>], vector<16xi32>, vector<16xi1>
        %get3A_47 = arith.index_cast %mul3A_36 : i32 to index
        %get3A_48 = tpu.vector_load %arg24[%get3A_47] {strides = array<i32>} : memref<640xf32, #tpu.memory_space<vmem>>, vector<16xf32>,
        tpu.vector_store_idx %arg36[%add3A_40], %get3A_48 masked %lt3A_42 : memref<640xf32, #tpu.memory_space<vmem>>[vector<16xi32>], vector<16xf32>, vector<16xi1>
        %get3A_49 = arith.index_cast %mul3A_36 : i32 to index
        %get3A_50 = tpu.vector_load %arg25[%get3A_49] {strides = array<i32>} : memref<640xf32, #tpu.memory_space<vmem>>, vector<16xf32>,
        tpu.vector_store_idx %arg37[%add3A_40], %get3A_50 masked %lt3A_42 : memref<640xf32, #tpu.memory_space<vmem>>[vector<16xi32>], vector<16xf32>, vector<16xi1>
        %get3A_51 = arith.index_cast %mul3A_36 : i32 to index
        %get3A_52 = tpu.vector_load %arg26[%get3A_51] {strides = array<i32>} : memref<640xf32, #tpu.memory_space<vmem>>, vector<16xf32>,
        tpu.vector_store_idx %arg38[%add3A_40], %get3A_52 masked %lt3A_42 : memref<640xf32, #tpu.memory_space<vmem>>[vector<16xi32>], vector<16xf32>, vector<16xi1>
        %get3A_53 = arith.index_cast %mul3A_36 : i32 to index
        %get3A_54 = tpu.vector_load %arg27[%get3A_53] {strides = array<i32>} : memref<640xf32, #tpu.memory_space<vmem>>, vector<16xf32>,
        tpu.vector_store_idx %arg39[%add3A_40], %get3A_54 masked %lt3A_42 : memref<640xf32, #tpu.memory_space<vmem>>[vector<16xi32>], vector<16xf32>, vector<16xi1>
        %scan3A_55 = arith.constant 0 : i32
        scf.yield %scan3A_55 : i32
      }
      %scan3A_24 = arith.constant 40 : i32
      %sub3A = arith.constant 600 : i32
      %sub3A_25 = arith.subi %sub3A, %scan3A_9#0 : i32
      %min3A = arith.minsi %scan3A_9#1, %sub3A_25 : i32
      %scan3A_26 = arith.constant 0 : i32
      %scan3A_27 = arith.constant 0 : i32
      %scan3A_28 = arith.constant 40 : i32
      %scan3A_29 = arith.addi %scan3A_27, %scan3A_28 : i32
      %scan3A_30 = arith.constant 1 : i32
      %scan3A_31 = scf.for %scan3A_33 = %scan3A_27 to %scan3A_29 step %scan3A_30 iter_args(%scan3A_34 = %scan3A_26) -> (i32)  : i32 {
        %mul3A_35 = arith.constant 16 : i32
        %mul3A_36 = arith.muli %scan3A_33, %mul3A_35 : i32
        %mul3A_37 = arith.constant 16 : i32
        %mul3A_38 = arith.muli %scan3A_33, %mul3A_37 : i32
        %add3A_39 = vector.broadcast %mul3A_38 : i32 to vector<16xi32>
        %add3A_40 = arith.addi %add3A_39, %iota3A : vector<16xi32>
        %lt3A_41 = vector.broadcast %min3A : i32 to vector<16xi32>
        %lt3A_42 = arith.cmpi slt, %add3A_40, %lt3A_41 : vector<16xi32>
        %add3A_43 = vector.broadcast %scan3A_9#0 : i32 to vector<16xi32>
        %add3A_44 = arith.addi %add3A_43, %add3A_40 : vector<16xi32>
        %get3A_45 = arith.index_cast %mul3A_36 : i32 to index
        %get3A_46 = tpu.vector_load %arg28[%get3A_45] {strides = array<i32>} : memref<640xf32, #tpu.memory_space<vmem>>, vector<16xf32>,
        tpu.vector_store_idx %arg34[%add3A_44], %get3A_46 masked %lt3A_42 : memref<640xf32, #tpu.memory_space<vmem>>[vector<16xi32>], vector<16xf32>, vector<16xi1>
        %add3A_47 = vector.broadcast %scan3A_9#0 : i32 to vector<16xi32>
        %add3A_48 = arith.addi %add3A_47, %add3A_40 : vector<16xi32>
        %get3A_49 = arith.index_cast %mul3A_36 : i32 to index
        %get3A_50 = tpu.vector_load %arg29[%get3A_49] {strides = array<i32>} : memref<640xi32, #tpu.memory_space<vmem>>, vector<16xi32>,
        tpu.vector_store_idx %arg35[%add3A_48], %get3A_50 masked %lt3A_42 : memref<640xi32, #tpu.memory_space<vmem>>[vector<16xi32>], vector<16xi32>, vector<16xi1>
        %add3A_51 = vector.broadcast %scan3A_9#0 : i32 to vector<16xi32>
        %add3A_52 = arith.addi %add3A_51, %add3A_40 : vector<16xi32>
        %get3A_53 = arith.index_cast %mul3A_36 : i32 to index
        %get3A_54 = tpu.vector_load %arg30[%get3A_53] {strides = array<i32>} : memref<640xf32, #tpu.memory_space<vmem>>, vector<16xf32>,
        tpu.vector_store_idx %arg36[%add3A_52], %get3A_54 masked %lt3A_42 : memref<640xf32, #tpu.memory_space<vmem>>[vector<16xi32>], vector<16xf32>, vector<16xi1>
        %add3A_55 = vector.broadcast %scan3A_9#0 : i32 to vector<16xi32>
        %add3A_56 = arith.addi %add3A_55, %add3A_40 : vector<16xi32>
        %get3A_57 = arith.index_cast %mul3A_36 : i32 to index
        %get3A_58 = tpu.vector_load %arg31[%get3A_57] {strides = array<i32>} : memref<640xf32, #tpu.memory_space<vmem>>, vector<16xf32>,
        tpu.vector_store_idx %arg37[%add3A_56], %get3A_58 masked %lt3A_42 : memref<640xf32, #tpu.memory_space<vmem>>[vector<16xi32>], vector<16xf32>, vector<16xi1>
        %add3A_59 = vector.broadcast %scan3A_9#0 : i32 to vector<16xi32>
        %add3A_60 = arith.addi %add3A_59, %add3A_40 : vector<16xi32>
        %get3A_61 = arith.index_cast %mul3A_36 : i32 to index
        %get3A_62 = tpu.vector_load %arg32[%get3A_61] {strides = array<i32>} : memref<640xf32, #tpu.memory_space<vmem>>, vector<16xf32>,
        tpu.vector_store_idx %arg38[%add3A_60], %get3A_62 masked %lt3A_42 : memref<640xf32, #tpu.memory_space<vmem>>[vector<16xi32>], vector<16xf32>, vector<16xi1>
        %add3A_63 = vector.broadcast %scan3A_9#0 : i32 to vector<16xi32>
        %add3A_64 = arith.addi %add3A_63, %add3A_40 : vector<16xi32>
        %get3A_65 = arith.index_cast %mul3A_36 : i32 to index
        %get3A_66 = tpu.vector_load %arg33[%get3A_65] {strides = array<i32>} : memref<640xf32, #tpu.memory_space<vmem>>, vector<16xf32>,
        tpu.vector_store_idx %arg39[%add3A_64], %get3A_66 masked %lt3A_42 : memref<640xf32, #tpu.memory_space<vmem>>[vector<16xi32>], vector<16xf32>, vector<16xi1>
        %scan3A_67 = arith.constant 0 : i32
        scf.yield %scan3A_67 : i32
      }
      %scan3A_32 = arith.constant 40 : i32
      "tpu.region"() ({
        %run_scoped3A = tpu.sem_alloc : memref<!tpu.dma_semaphore, #tpu.memory_space<semaphore_mem>>
        %dma_start3A = arith.constant 0 : i32
        %dma_start3A_33 = tpu.memref_slice %arg9[%add3A, %dma_start3A] : memref<4x640xf32, #tpu.memory_space<hbm>> -> memref<1x640xf32, #tpu.memory_space<hbm>>
        %dma_start3A_34 = tpu.memref_squeeze %dma_start3A_33 : memref<1x640xf32, #tpu.memory_space<hbm>> -> memref<640xf32, #tpu.memory_space<hbm>>
        %dma_start3A_35 = arith.constant 0 : i32
        %dma_start3A_36 = tpu.memref_slice %arg9[%add3A, %dma_start3A_35] : memref<4x640xf32, #tpu.memory_space<hbm>> -> memref<1x640xf32, #tpu.memory_space<hbm>>
        %dma_start3A_37 = tpu.memref_squeeze %dma_start3A_36 : memref<1x640xf32, #tpu.memory_space<hbm>> -> memref<640xf32, #tpu.memory_space<hbm>>
        tpu.enqueue_dma source(%arg34 : memref<640xf32, #tpu.memory_space<vmem>>) target(%dma_start3A_37 : memref<640xf32, #tpu.memory_space<hbm>>) target_semaphore(%run_scoped3A : memref<!tpu.dma_semaphore, #tpu.memory_space<semaphore_mem>>)
        %dma_wait3A = arith.constant 0 : i32
        %dma_wait3A_38 = tpu.memref_slice %arg9[%add3A, %dma_wait3A] : memref<4x640xf32, #tpu.memory_space<hbm>> -> memref<1x640xf32, #tpu.memory_space<hbm>>
        %dma_wait3A_39 = tpu.memref_squeeze %dma_wait3A_38 : memref<1x640xf32, #tpu.memory_space<hbm>> -> memref<640xf32, #tpu.memory_space<hbm>>
        %dma_wait3A_40 = arith.constant 0 : i32
        %dma_wait3A_41 = tpu.memref_slice %arg9[%add3A, %dma_wait3A_40] : memref<4x640xf32, #tpu.memory_space<hbm>> -> memref<1x640xf32, #tpu.memory_space<hbm>>
        %dma_wait3A_42 = tpu.memref_squeeze %dma_wait3A_41 : memref<1x640xf32, #tpu.memory_space<hbm>> -> memref<640xf32, #tpu.memory_space<hbm>>
        tpu.wait_dma2 semaphore(%run_scoped3A : memref<!tpu.dma_semaphore, #tpu.memory_space<semaphore_mem>>) src(%arg34 : memref<640xf32, #tpu.memory_space<vmem>>) dst(%dma_wait3A_42 : memref<640xf32, #tpu.memory_space<hbm>>)
        tpu.yield
      }) : () -> ()
      "tpu.region"() ({
        %run_scoped3A = tpu.sem_alloc : memref<!tpu.dma_semaphore, #tpu.memory_space<semaphore_mem>>
        %dma_start3A = arith.constant 0 : i32
        %dma_start3A_33 = tpu.memref_slice %arg10[%add3A, %dma_start3A] : memref<4x640xi32, #tpu.memory_space<hbm>> -> memref<1x640xi32, #tpu.memory_space<hbm>>
        %dma_start3A_34 = tpu.memref_squeeze %dma_start3A_33 : memref<1x640xi32, #tpu.memory_space<hbm>> -> memref<640xi32, #tpu.memory_space<hbm>>
        %dma_start3A_35 = arith.constant 0 : i32
        %dma_start3A_36 = tpu.memref_slice %arg10[%add3A, %dma_start3A_35] : memref<4x640xi32, #tpu.memory_space<hbm>> -> memref<1x640xi32, #tpu.memory_space<hbm>>
        %dma_start3A_37 = tpu.memref_squeeze %dma_start3A_36 : memref<1x640xi32, #tpu.memory_space<hbm>> -> memref<640xi32, #tpu.memory_space<hbm>>
        tpu.enqueue_dma source(%arg35 : memref<640xi32, #tpu.memory_space<vmem>>) target(%dma_start3A_37 : memref<640xi32, #tpu.memory_space<hbm>>) target_semaphore(%run_scoped3A : memref<!tpu.dma_semaphore, #tpu.memory_space<semaphore_mem>>)
        %dma_wait3A = arith.constant 0 : i32
        %dma_wait3A_38 = tpu.memref_slice %arg10[%add3A, %dma_wait3A] : memref<4x640xi32, #tpu.memory_space<hbm>> -> memref<1x640xi32, #tpu.memory_space<hbm>>
        %dma_wait3A_39 = tpu.memref_squeeze %dma_wait3A_38 : memref<1x640xi32, #tpu.memory_space<hbm>> -> memref<640xi32, #tpu.memory_space<hbm>>
        %dma_wait3A_40 = arith.constant 0 : i32
        %dma_wait3A_41 = tpu.memref_slice %arg10[%add3A, %dma_wait3A_40] : memref<4x640xi32, #tpu.memory_space<hbm>> -> memref<1x640xi32, #tpu.memory_space<hbm>>
        %dma_wait3A_42 = tpu.memref_squeeze %dma_wait3A_41 : memref<1x640xi32, #tpu.memory_space<hbm>> -> memref<640xi32, #tpu.memory_space<hbm>>
        tpu.wait_dma2 semaphore(%run_scoped3A : memref<!tpu.dma_semaphore, #tpu.memory_space<semaphore_mem>>) src(%arg35 : memref<640xi32, #tpu.memory_space<vmem>>) dst(%dma_wait3A_42 : memref<640xi32, #tpu.memory_space<hbm>>)
        tpu.yield
      }) : () -> ()
      "tpu.region"() ({
        %run_scoped3A = tpu.sem_alloc : memref<!tpu.dma_semaphore, #tpu.memory_space<semaphore_mem>>
        %dma_start3A = arith.constant 0 : i32
        %dma_start3A_33 = tpu.memref_slice %arg11[%add3A, %dma_start3A] : memref<4x640xf32, #tpu.memory_space<hbm>> -> memref<1x640xf32, #tpu.memory_space<hbm>>
        %dma_start3A_34 = tpu.memref_squeeze %dma_start3A_33 : memref<1x640xf32, #tpu.memory_space<hbm>> -> memref<640xf32, #tpu.memory_space<hbm>>
        %dma_start3A_35 = arith.constant 0 : i32
        %dma_start3A_36 = tpu.memref_slice %arg11[%add3A, %dma_start3A_35] : memref<4x640xf32, #tpu.memory_space<hbm>> -> memref<1x640xf32, #tpu.memory_space<hbm>>
        %dma_start3A_37 = tpu.memref_squeeze %dma_start3A_36 : memref<1x640xf32, #tpu.memory_space<hbm>> -> memref<640xf32, #tpu.memory_space<hbm>>
        tpu.enqueue_dma source(%arg36 : memref<640xf32, #tpu.memory_space<vmem>>) target(%dma_start3A_37 : memref<640xf32, #tpu.memory_space<hbm>>) target_semaphore(%run_scoped3A : memref<!tpu.dma_semaphore, #tpu.memory_space<semaphore_mem>>)
        %dma_wait3A = arith.constant 0 : i32
        %dma_wait3A_38 = tpu.memref_slice %arg11[%add3A, %dma_wait3A] : memref<4x640xf32, #tpu.memory_space<hbm>> -> memref<1x640xf32, #tpu.memory_space<hbm>>
        %dma_wait3A_39 = tpu.memref_squeeze %dma_wait3A_38 : memref<1x640xf32, #tpu.memory_space<hbm>> -> memref<640xf32, #tpu.memory_space<hbm>>
        %dma_wait3A_40 = arith.constant 0 : i32
        %dma_wait3A_41 = tpu.memref_slice %arg11[%add3A, %dma_wait3A_40] : memref<4x640xf32, #tpu.memory_space<hbm>> -> memref<1x640xf32, #tpu.memory_space<hbm>>
        %dma_wait3A_42 = tpu.memref_squeeze %dma_wait3A_41 : memref<1x640xf32, #tpu.memory_space<hbm>> -> memref<640xf32, #tpu.memory_space<hbm>>
        tpu.wait_dma2 semaphore(%run_scoped3A : memref<!tpu.dma_semaphore, #tpu.memory_space<semaphore_mem>>) src(%arg36 : memref<640xf32, #tpu.memory_space<vmem>>) dst(%dma_wait3A_42 : memref<640xf32, #tpu.memory_space<hbm>>)
        tpu.yield
      }) : () -> ()
      "tpu.region"() ({
        %run_scoped3A = tpu.sem_alloc : memref<!tpu.dma_semaphore, #tpu.memory_space<semaphore_mem>>
        %dma_start3A = arith.constant 0 : i32
        %dma_start3A_33 = tpu.memref_slice %arg12[%add3A, %dma_start3A] : memref<4x640xf32, #tpu.memory_space<hbm>> -> memref<1x640xf32, #tpu.memory_space<hbm>>
        %dma_start3A_34 = tpu.memref_squeeze %dma_start3A_33 : memref<1x640xf32, #tpu.memory_space<hbm>> -> memref<640xf32, #tpu.memory_space<hbm>>
        %dma_start3A_35 = arith.constant 0 : i32
        %dma_start3A_36 = tpu.memref_slice %arg12[%add3A, %dma_start3A_35] : memref<4x640xf32, #tpu.memory_space<hbm>> -> memref<1x640xf32, #tpu.memory_space<hbm>>
        %dma_start3A_37 = tpu.memref_squeeze %dma_start3A_36 : memref<1x640xf32, #tpu.memory_space<hbm>> -> memref<640xf32, #tpu.memory_space<hbm>>
        tpu.enqueue_dma source(%arg37 : memref<640xf32, #tpu.memory_space<vmem>>) target(%dma_start3A_37 : memref<640xf32, #tpu.memory_space<hbm>>) target_semaphore(%run_scoped3A : memref<!tpu.dma_semaphore, #tpu.memory_space<semaphore_mem>>)
        %dma_wait3A = arith.constant 0 : i32
        %dma_wait3A_38 = tpu.memref_slice %arg12[%add3A, %dma_wait3A] : memref<4x640xf32, #tpu.memory_space<hbm>> -> memref<1x640xf32, #tpu.memory_space<hbm>>
        %dma_wait3A_39 = tpu.memref_squeeze %dma_wait3A_38 : memref<1x640xf32, #tpu.memory_space<hbm>> -> memref<640xf32, #tpu.memory_space<hbm>>
        %dma_wait3A_40 = arith.constant 0 : i32
        %dma_wait3A_41 = tpu.memref_slice %arg12[%add3A, %dma_wait3A_40] : memref<4x640xf32, #tpu.memory_space<hbm>> -> memref<1x640xf32, #tpu.memory_space<hbm>>
        %dma_wait3A_42 = tpu.memref_squeeze %dma_wait3A_41 : memref<1x640xf32, #tpu.memory_space<hbm>> -> memref<640xf32, #tpu.memory_space<hbm>>
        tpu.wait_dma2 semaphore(%run_scoped3A : memref<!tpu.dma_semaphore, #tpu.memory_space<semaphore_mem>>) src(%arg37 : memref<640xf32, #tpu.memory_space<vmem>>) dst(%dma_wait3A_42 : memref<640xf32, #tpu.memory_space<hbm>>)
        tpu.yield
      }) : () -> ()
      "tpu.region"() ({
        %run_scoped3A = tpu.sem_alloc : memref<!tpu.dma_semaphore, #tpu.memory_space<semaphore_mem>>
        %dma_start3A = arith.constant 0 : i32
        %dma_start3A_33 = tpu.memref_slice %arg13[%add3A, %dma_start3A] : memref<4x640xf32, #tpu.memory_space<hbm>> -> memref<1x640xf32, #tpu.memory_space<hbm>>
        %dma_start3A_34 = tpu.memref_squeeze %dma_start3A_33 : memref<1x640xf32, #tpu.memory_space<hbm>> -> memref<640xf32, #tpu.memory_space<hbm>>
        %dma_start3A_35 = arith.constant 0 : i32
        %dma_start3A_36 = tpu.memref_slice %arg13[%add3A, %dma_start3A_35] : memref<4x640xf32, #tpu.memory_space<hbm>> -> memref<1x640xf32, #tpu.memory_space<hbm>>
        %dma_start3A_37 = tpu.memref_squeeze %dma_start3A_36 : memref<1x640xf32, #tpu.memory_space<hbm>> -> memref<640xf32, #tpu.memory_space<hbm>>
        tpu.enqueue_dma source(%arg38 : memref<640xf32, #tpu.memory_space<vmem>>) target(%dma_start3A_37 : memref<640xf32, #tpu.memory_space<hbm>>) target_semaphore(%run_scoped3A : memref<!tpu.dma_semaphore, #tpu.memory_space<semaphore_mem>>)
        %dma_wait3A = arith.constant 0 : i32
        %dma_wait3A_38 = tpu.memref_slice %arg13[%add3A, %dma_wait3A] : memref<4x640xf32, #tpu.memory_space<hbm>> -> memref<1x640xf32, #tpu.memory_space<hbm>>
        %dma_wait3A_39 = tpu.memref_squeeze %dma_wait3A_38 : memref<1x640xf32, #tpu.memory_space<hbm>> -> memref<640xf32, #tpu.memory_space<hbm>>
        %dma_wait3A_40 = arith.constant 0 : i32
        %dma_wait3A_41 = tpu.memref_slice %arg13[%add3A, %dma_wait3A_40] : memref<4x640xf32, #tpu.memory_space<hbm>> -> memref<1x640xf32, #tpu.memory_space<hbm>>
        %dma_wait3A_42 = tpu.memref_squeeze %dma_wait3A_41 : memref<1x640xf32, #tpu.memory_space<hbm>> -> memref<640xf32, #tpu.memory_space<hbm>>
        tpu.wait_dma2 semaphore(%run_scoped3A : memref<!tpu.dma_semaphore, #tpu.memory_space<semaphore_mem>>) src(%arg38 : memref<640xf32, #tpu.memory_space<vmem>>) dst(%dma_wait3A_42 : memref<640xf32, #tpu.memory_space<hbm>>)
        tpu.yield
      }) : () -> ()
      "tpu.region"() ({
        %run_scoped3A = tpu.sem_alloc : memref<!tpu.dma_semaphore, #tpu.memory_space<semaphore_mem>>
        %dma_start3A = arith.constant 0 : i32
        %dma_start3A_33 = tpu.memref_slice %arg14[%add3A, %dma_start3A] : memref<4x640xf32, #tpu.memory_space<hbm>> -> memref<1x640xf32, #tpu.memory_space<hbm>>
        %dma_start3A_34 = tpu.memref_squeeze %dma_start3A_33 : memref<1x640xf32, #tpu.memory_space<hbm>> -> memref<640xf32, #tpu.memory_space<hbm>>
        %dma_start3A_35 = arith.constant 0 : i32
        %dma_start3A_36 = tpu.memref_slice %arg14[%add3A, %dma_start3A_35] : memref<4x640xf32, #tpu.memory_space<hbm>> -> memref<1x640xf32, #tpu.memory_space<hbm>>
        %dma_start3A_37 = tpu.memref_squeeze %dma_start3A_36 : memref<1x640xf32, #tpu.memory_space<hbm>> -> memref<640xf32, #tpu.memory_space<hbm>>
        tpu.enqueue_dma source(%arg39 : memref<640xf32, #tpu.memory_space<vmem>>) target(%dma_start3A_37 : memref<640xf32, #tpu.memory_space<hbm>>) target_semaphore(%run_scoped3A : memref<!tpu.dma_semaphore, #tpu.memory_space<semaphore_mem>>)
        %dma_wait3A = arith.constant 0 : i32
        %dma_wait3A_38 = tpu.memref_slice %arg14[%add3A, %dma_wait3A] : memref<4x640xf32, #tpu.memory_space<hbm>> -> memref<1x640xf32, #tpu.memory_space<hbm>>
        %dma_wait3A_39 = tpu.memref_squeeze %dma_wait3A_38 : memref<1x640xf32, #tpu.memory_space<hbm>> -> memref<640xf32, #tpu.memory_space<hbm>>
        %dma_wait3A_40 = arith.constant 0 : i32
        %dma_wait3A_41 = tpu.memref_slice %arg14[%add3A, %dma_wait3A_40] : memref<4x640xf32, #tpu.memory_space<hbm>> -> memref<1x640xf32, #tpu.memory_space<hbm>>
        %dma_wait3A_42 = tpu.memref_squeeze %dma_wait3A_41 : memref<1x640xf32, #tpu.memory_space<hbm>> -> memref<640xf32, #tpu.memory_space<hbm>>
        tpu.wait_dma2 semaphore(%run_scoped3A : memref<!tpu.dma_semaphore, #tpu.memory_space<semaphore_mem>>) src(%arg39 : memref<640xf32, #tpu.memory_space<vmem>>) dst(%dma_wait3A_42 : memref<640xf32, #tpu.memory_space<hbm>>)
        tpu.yield
      }) : () -> ()
    } else {
    }
    return
  }
}

module attributes {stable_mosaic.version = 14 : i64} {
  func.func @_trunk_body(%arg0: i32, %arg1: memref<1x1024x384xf32, #tpu.memory_space<vmem>>, %arg2: memref<9x384x256xf32, #tpu.memory_space<vmem>>, %arg3: memref<256x80xf32, #tpu.memory_space<vmem>>, %arg4: memref<1x256xf32, #tpu.memory_space<vmem>>, %arg5: memref<1x80xf32, #tpu.memory_space<vmem>>, %arg6: memref<2xi32, #tpu.memory_space<smem>>, %arg7: memref<1x9xf32, #tpu.memory_space<vmem>>, %arg8: memref<1x9xf32, #tpu.memory_space<vmem>>, %arg9: memref<1024x9xf32, #tpu.memory_space<vmem>>, %arg10: memref<1024x9xf32, #tpu.memory_space<vmem>>, %arg11: memref<1x1024x9xf32, #tpu.memory_space<vmem>>, %arg12: memref<1x1024x9xf32, #tpu.memory_space<vmem>>, %arg13: memref<1x1024x9xf32, #tpu.memory_space<vmem>>, %arg14: memref<1x1024x9xf32, #tpu.memory_space<vmem>>, %arg15: memref<1x1024x9xf32, #tpu.memory_space<vmem>>) attributes {dimension_semantics = [#tpu.dimension_semantics<arbitrary>], iteration_bounds = array<i64: 4>, scalar_prefetch = 0 : i64, scratch_operands = 0 : i64, tpu.core_type = #tpu.core_type<tc>, window_params = [{transform_indices = @transform_0, window_bounds = array<i64: 1, 1024, 384>}, {pipeline_mode = #tpu.pipeline_mode<synchronous>, transform_indices = @transform_1, window_bounds = array<i64: 9, 384, 256>}, {pipeline_mode = #tpu.pipeline_mode<synchronous>, transform_indices = @transform_2, window_bounds = array<i64: 256, 80>}, {pipeline_mode = #tpu.pipeline_mode<synchronous>, transform_indices = @transform_3, window_bounds = array<i64: 1, 256>}, {pipeline_mode = #tpu.pipeline_mode<synchronous>, transform_indices = @transform_4, window_bounds = array<i64: 1, 80>}, {transform_indices = @transform_5, window_bounds = array<i64: 2>}, {pipeline_mode = #tpu.pipeline_mode<synchronous>, transform_indices = @transform_6, window_bounds = array<i64: 1, 9>}, {pipeline_mode = #tpu.pipeline_mode<synchronous>, transform_indices = @transform_7, window_bounds = array<i64: 1, 9>}, {pipeline_mode = #tpu.pipeline_mode<synchronous>, transform_indices = @transform_8, window_bounds = array<i64: 1024, 9>}, {pipeline_mode = #tpu.pipeline_mode<synchronous>, transform_indices = @transform_9, window_bounds = array<i64: 1024, 9>}, {transform_indices = @transform_10, window_bounds = array<i64: 1, 1024, 9>}, {transform_indices = @transform_11, window_bounds = array<i64: 1, 1024, 9>}, {transform_indices = @transform_12, window_bounds = array<i64: 1, 1024, 9>}, {transform_indices = @transform_13, window_bounds = array<i64: 1, 1024, 9>}, {transform_indices = @transform_14, window_bounds = array<i64: 1, 1024, 9>}]} {
    %get3A = arith.constant 0 : index
    %get3A_0 = arith.constant 0 : index
    %get3A_1 = arith.constant 0 : index
    %get3A_2 = vector.load %arg1[%get3A, %get3A_0, %get3A_1] : memref<1x1024x384xf32, #tpu.memory_space<vmem>>, vector<1x1024x384xf32>
    %get3A_3 = vector.shape_cast %get3A_2 : vector<1x1024x384xf32> to vector<1024x384xf32>
    %iota3A = tpu.iota {dimensions = array<i32: 0>} : vector<1024x1xi32>
    %and3A = arith.constant 31 : i32
    %and3A_4 = vector.broadcast %and3A : i32 to vector<1024x1xi32>
    %and3A_5 = arith.andi %iota3A, %and3A_4 : vector<1024x1xi32>
    %broadcast_in_dim3A = arith.constant 0.000000e+00 : f32
    %broadcast_in_dim3A_6 = vector.broadcast %broadcast_in_dim3A : f32 to vector<1024x256xf32>
    %broadcast_in_dim3A_7 = arith.constant 0.000000e+00 : f32
    %broadcast_in_dim3A_8 = vector.broadcast %broadcast_in_dim3A_7 : f32 to vector<33x384xf32>
    %slice3A = vector.extract_strided_slice %get3A_3 {offsets = [0, 0], sizes = [991, 384], strides = [1, 1]} : vector<1024x384xf32> to vector<991x384xf32>
    %concatenate3A = tpu.concatenate %broadcast_in_dim3A_8, %slice3A in 0 : vector<33x384xf32>, vector<991x384xf32> -> vector<1024x384xf32>
    %ge3A = arith.constant 1 : i32
    %ge3A_9 = vector.broadcast %ge3A : i32 to vector<1024x1xi32>
    %ge3A_10 = arith.cmpi sge, %and3A_5, %ge3A_9 : vector<1024x1xi32>
    %convert_element_type3A = arith.extui %ge3A_10 : vector<1024x1xi1> to vector<1024x1xi32>
    %convert_element_type3A_11 = arith.sitofp %convert_element_type3A : vector<1024x1xi32> to vector<1024x1xf32>
    %mul3A = vector.broadcast %convert_element_type3A_11 : vector<1024x1xf32> to vector<1024x384xf32>
    %mul3A_12 = arith.mulf %concatenate3A, %mul3A : vector<1024x384xf32>
    %get3A_13 = arith.constant 0 : index
    %get3A_14 = arith.constant 0 : index
    %get3A_15 = arith.constant 0 : index
    %get3A_16 = vector.load %arg2[%get3A_13, %get3A_14, %get3A_15] : memref<9x384x256xf32, #tpu.memory_space<vmem>>, vector<1x384x256xf32>
    %get3A_17 = vector.shape_cast %get3A_16 : vector<1x384x256xf32> to vector<384x256xf32>
    %dot_general3A = arith.constant dense<0.000000e+00> : vector<1024x256xf32>
    %dot_general3A_18 = tpu.matmul %mul3A_12, %get3A_17, %dot_general3A {dimension_numbers = #tpu.dot_dimension_numbers<[1], [0], [0], [1], [0, 0, 1, 1], [], []>, transpose_lhs_hint = false} : vector<1024x384xf32>, vector<384x256xf32>, vector<1024x256xf32> -> vector<1024x256xf32>
    %add3A = arith.addf %broadcast_in_dim3A_6, %dot_general3A_18 : vector<1024x256xf32>
    %broadcast_in_dim3A_19 = arith.constant 0.000000e+00 : f32
    %broadcast_in_dim3A_20 = vector.broadcast %broadcast_in_dim3A_19 : f32 to vector<32x384xf32>
    %slice3A_21 = vector.extract_strided_slice %get3A_3 {offsets = [0, 0], sizes = [992, 384], strides = [1, 1]} : vector<1024x384xf32> to vector<992x384xf32>
    %concatenate3A_22 = tpu.concatenate %broadcast_in_dim3A_20, %slice3A_21 in 0 : vector<32x384xf32>, vector<992x384xf32> -> vector<1024x384xf32>
    %get3A_23 = arith.constant 1 : index
    %get3A_24 = arith.constant 0 : index
    %get3A_25 = arith.constant 0 : index
    %get3A_26 = vector.load %arg2[%get3A_23, %get3A_24, %get3A_25] : memref<9x384x256xf32, #tpu.memory_space<vmem>>, vector<1x384x256xf32>
    %get3A_27 = vector.shape_cast %get3A_26 : vector<1x384x256xf32> to vector<384x256xf32>
    %dot_general3A_28 = arith.constant dense<0.000000e+00> : vector<1024x256xf32>
    %dot_general3A_29 = tpu.matmul %concatenate3A_22, %get3A_27, %dot_general3A_28 {dimension_numbers = #tpu.dot_dimension_numbers<[1], [0], [0], [1], [0, 0, 1, 1], [], []>, transpose_lhs_hint = false} : vector<1024x384xf32>, vector<384x256xf32>, vector<1024x256xf32> -> vector<1024x256xf32>
    %add3A_30 = arith.addf %add3A, %dot_general3A_29 : vector<1024x256xf32>
    %broadcast_in_dim3A_31 = arith.constant 0.000000e+00 : f32
    %broadcast_in_dim3A_32 = vector.broadcast %broadcast_in_dim3A_31 : f32 to vector<31x384xf32>
    %slice3A_33 = vector.extract_strided_slice %get3A_3 {offsets = [0, 0], sizes = [993, 384], strides = [1, 1]} : vector<1024x384xf32> to vector<993x384xf32>
    %concatenate3A_34 = tpu.concatenate %broadcast_in_dim3A_32, %slice3A_33 in 0 : vector<31x384xf32>, vector<993x384xf32> -> vector<1024x384xf32>
    %le3A = arith.constant 30 : i32
    %le3A_35 = vector.broadcast %le3A : i32 to vector<1024x1xi32>
    %le3A_36 = arith.cmpi sle, %and3A_5, %le3A_35 : vector<1024x1xi32>
    %convert_element_type3A_37 = arith.extui %le3A_36 : vector<1024x1xi1> to vector<1024x1xi32>
    %convert_element_type3A_38 = arith.sitofp %convert_element_type3A_37 : vector<1024x1xi32> to vector<1024x1xf32>
    %mul3A_39 = vector.broadcast %convert_element_type3A_38 : vector<1024x1xf32> to vector<1024x384xf32>
    %mul3A_40 = arith.mulf %concatenate3A_34, %mul3A_39 : vector<1024x384xf32>
    %get3A_41 = arith.constant 2 : index
    %get3A_42 = arith.constant 0 : index
    %get3A_43 = arith.constant 0 : index
    %get3A_44 = vector.load %arg2[%get3A_41, %get3A_42, %get3A_43] : memref<9x384x256xf32, #tpu.memory_space<vmem>>, vector<1x384x256xf32>
    %get3A_45 = vector.shape_cast %get3A_44 : vector<1x384x256xf32> to vector<384x256xf32>
    %dot_general3A_46 = arith.constant dense<0.000000e+00> : vector<1024x256xf32>
    %dot_general3A_47 = tpu.matmul %mul3A_40, %get3A_45, %dot_general3A_46 {dimension_numbers = #tpu.dot_dimension_numbers<[1], [0], [0], [1], [0, 0, 1, 1], [], []>, transpose_lhs_hint = false} : vector<1024x384xf32>, vector<384x256xf32>, vector<1024x256xf32> -> vector<1024x256xf32>
    %add3A_48 = arith.addf %add3A_30, %dot_general3A_47 : vector<1024x256xf32>
    %broadcast_in_dim3A_49 = arith.constant 0.000000e+00 : f32
    %broadcast_in_dim3A_50 = vector.broadcast %broadcast_in_dim3A_49 : f32 to vector<1x384xf32>
    %slice3A_51 = vector.extract_strided_slice %get3A_3 {offsets = [0, 0], sizes = [1023, 384], strides = [1, 1]} : vector<1024x384xf32> to vector<1023x384xf32>
    %concatenate3A_52 = tpu.concatenate %broadcast_in_dim3A_50, %slice3A_51 in 0 : vector<1x384xf32>, vector<1023x384xf32> -> vector<1024x384xf32>
    %ge3A_53 = arith.constant 1 : i32
    %ge3A_54 = vector.broadcast %ge3A_53 : i32 to vector<1024x1xi32>
    %ge3A_55 = arith.cmpi sge, %and3A_5, %ge3A_54 : vector<1024x1xi32>
    %convert_element_type3A_56 = arith.extui %ge3A_55 : vector<1024x1xi1> to vector<1024x1xi32>
    %convert_element_type3A_57 = arith.sitofp %convert_element_type3A_56 : vector<1024x1xi32> to vector<1024x1xf32>
    %mul3A_58 = vector.broadcast %convert_element_type3A_57 : vector<1024x1xf32> to vector<1024x384xf32>
    %mul3A_59 = arith.mulf %concatenate3A_52, %mul3A_58 : vector<1024x384xf32>
    %get3A_60 = arith.constant 3 : index
    %get3A_61 = arith.constant 0 : index
    %get3A_62 = arith.constant 0 : index
    %get3A_63 = vector.load %arg2[%get3A_60, %get3A_61, %get3A_62] : memref<9x384x256xf32, #tpu.memory_space<vmem>>, vector<1x384x256xf32>
    %get3A_64 = vector.shape_cast %get3A_63 : vector<1x384x256xf32> to vector<384x256xf32>
    %dot_general3A_65 = arith.constant dense<0.000000e+00> : vector<1024x256xf32>
    %dot_general3A_66 = tpu.matmul %mul3A_59, %get3A_64, %dot_general3A_65 {dimension_numbers = #tpu.dot_dimension_numbers<[1], [0], [0], [1], [0, 0, 1, 1], [], []>, transpose_lhs_hint = false} : vector<1024x384xf32>, vector<384x256xf32>, vector<1024x256xf32> -> vector<1024x256xf32>
    %add3A_67 = arith.addf %add3A_48, %dot_general3A_66 : vector<1024x256xf32>
    %get3A_68 = arith.constant 4 : index
    %get3A_69 = arith.constant 0 : index
    %get3A_70 = arith.constant 0 : index
    %get3A_71 = vector.load %arg2[%get3A_68, %get3A_69, %get3A_70] : memref<9x384x256xf32, #tpu.memory_space<vmem>>, vector<1x384x256xf32>
    %get3A_72 = vector.shape_cast %get3A_71 : vector<1x384x256xf32> to vector<384x256xf32>
    %dot_general3A_73 = arith.constant dense<0.000000e+00> : vector<1024x256xf32>
    %dot_general3A_74 = tpu.matmul %get3A_3, %get3A_72, %dot_general3A_73 {dimension_numbers = #tpu.dot_dimension_numbers<[1], [0], [0], [1], [0, 0, 1, 1], [], []>, transpose_lhs_hint = false} : vector<1024x384xf32>, vector<384x256xf32>, vector<1024x256xf32> -> vector<1024x256xf32>
    %add3A_75 = arith.addf %add3A_67, %dot_general3A_74 : vector<1024x256xf32>
    %slice3A_76 = vector.extract_strided_slice %get3A_3 {offsets = [1, 0], sizes = [1023, 384], strides = [1, 1]} : vector<1024x384xf32> to vector<1023x384xf32>
    %broadcast_in_dim3A_77 = arith.constant 0.000000e+00 : f32
    %broadcast_in_dim3A_78 = vector.broadcast %broadcast_in_dim3A_77 : f32 to vector<1x384xf32>
    %concatenate3A_79 = tpu.concatenate %slice3A_76, %broadcast_in_dim3A_78 in 0 : vector<1023x384xf32>, vector<1x384xf32> -> vector<1024x384xf32>
    %le3A_80 = arith.constant 30 : i32
    %le3A_81 = vector.broadcast %le3A_80 : i32 to vector<1024x1xi32>
    %le3A_82 = arith.cmpi sle, %and3A_5, %le3A_81 : vector<1024x1xi32>
    %convert_element_type3A_83 = arith.extui %le3A_82 : vector<1024x1xi1> to vector<1024x1xi32>
    %convert_element_type3A_84 = arith.sitofp %convert_element_type3A_83 : vector<1024x1xi32> to vector<1024x1xf32>
    %mul3A_85 = vector.broadcast %convert_element_type3A_84 : vector<1024x1xf32> to vector<1024x384xf32>
    %mul3A_86 = arith.mulf %concatenate3A_79, %mul3A_85 : vector<1024x384xf32>
    %get3A_87 = arith.constant 5 : index
    %get3A_88 = arith.constant 0 : index
    %get3A_89 = arith.constant 0 : index
    %get3A_90 = vector.load %arg2[%get3A_87, %get3A_88, %get3A_89] : memref<9x384x256xf32, #tpu.memory_space<vmem>>, vector<1x384x256xf32>
    %get3A_91 = vector.shape_cast %get3A_90 : vector<1x384x256xf32> to vector<384x256xf32>
    %dot_general3A_92 = arith.constant dense<0.000000e+00> : vector<1024x256xf32>
    %dot_general3A_93 = tpu.matmul %mul3A_86, %get3A_91, %dot_general3A_92 {dimension_numbers = #tpu.dot_dimension_numbers<[1], [0], [0], [1], [0, 0, 1, 1], [], []>, transpose_lhs_hint = false} : vector<1024x384xf32>, vector<384x256xf32>, vector<1024x256xf32> -> vector<1024x256xf32>
    %add3A_94 = arith.addf %add3A_75, %dot_general3A_93 : vector<1024x256xf32>
    %slice3A_95 = vector.extract_strided_slice %get3A_3 {offsets = [31, 0], sizes = [993, 384], strides = [1, 1]} : vector<1024x384xf32> to vector<993x384xf32>
    %broadcast_in_dim3A_96 = arith.constant 0.000000e+00 : f32
    %broadcast_in_dim3A_97 = vector.broadcast %broadcast_in_dim3A_96 : f32 to vector<31x384xf32>
    %concatenate3A_98 = tpu.concatenate %slice3A_95, %broadcast_in_dim3A_97 in 0 : vector<993x384xf32>, vector<31x384xf32> -> vector<1024x384xf32>
    %ge3A_99 = arith.constant 1 : i32
    %ge3A_100 = vector.broadcast %ge3A_99 : i32 to vector<1024x1xi32>
    %ge3A_101 = arith.cmpi sge, %and3A_5, %ge3A_100 : vector<1024x1xi32>
    %convert_element_type3A_102 = arith.extui %ge3A_101 : vector<1024x1xi1> to vector<1024x1xi32>
    %convert_element_type3A_103 = arith.sitofp %convert_element_type3A_102 : vector<1024x1xi32> to vector<1024x1xf32>
    %mul3A_104 = vector.broadcast %convert_element_type3A_103 : vector<1024x1xf32> to vector<1024x384xf32>
    %mul3A_105 = arith.mulf %concatenate3A_98, %mul3A_104 : vector<1024x384xf32>
    %get3A_106 = arith.constant 6 : index
    %get3A_107 = arith.constant 0 : index
    %get3A_108 = arith.constant 0 : index
    %get3A_109 = vector.load %arg2[%get3A_106, %get3A_107, %get3A_108] : memref<9x384x256xf32, #tpu.memory_space<vmem>>, vector<1x384x256xf32>
    %get3A_110 = vector.shape_cast %get3A_109 : vector<1x384x256xf32> to vector<384x256xf32>
    %dot_general3A_111 = arith.constant dense<0.000000e+00> : vector<1024x256xf32>
    %dot_general3A_112 = tpu.matmul %mul3A_105, %get3A_110, %dot_general3A_111 {dimension_numbers = #tpu.dot_dimension_numbers<[1], [0], [0], [1], [0, 0, 1, 1], [], []>, transpose_lhs_hint = false} : vector<1024x384xf32>, vector<384x256xf32>, vector<1024x256xf32> -> vector<1024x256xf32>
    %add3A_113 = arith.addf %add3A_94, %dot_general3A_112 : vector<1024x256xf32>
    %slice3A_114 = vector.extract_strided_slice %get3A_3 {offsets = [32, 0], sizes = [992, 384], strides = [1, 1]} : vector<1024x384xf32> to vector<992x384xf32>
    %broadcast_in_dim3A_115 = arith.constant 0.000000e+00 : f32
    %broadcast_in_dim3A_116 = vector.broadcast %broadcast_in_dim3A_115 : f32 to vector<32x384xf32>
    %concatenate3A_117 = tpu.concatenate %slice3A_114, %broadcast_in_dim3A_116 in 0 : vector<992x384xf32>, vector<32x384xf32> -> vector<1024x384xf32>
    %get3A_118 = arith.constant 7 : index
    %get3A_119 = arith.constant 0 : index
    %get3A_120 = arith.constant 0 : index
    %get3A_121 = vector.load %arg2[%get3A_118, %get3A_119, %get3A_120] : memref<9x384x256xf32, #tpu.memory_space<vmem>>, vector<1x384x256xf32>
    %get3A_122 = vector.shape_cast %get3A_121 : vector<1x384x256xf32> to vector<384x256xf32>
    %dot_general3A_123 = arith.constant dense<0.000000e+00> : vector<1024x256xf32>
    %dot_general3A_124 = tpu.matmul %concatenate3A_117, %get3A_122, %dot_general3A_123 {dimension_numbers = #tpu.dot_dimension_numbers<[1], [0], [0], [1], [0, 0, 1, 1], [], []>, transpose_lhs_hint = false} : vector<1024x384xf32>, vector<384x256xf32>, vector<1024x256xf32> -> vector<1024x256xf32>
    %add3A_125 = arith.addf %add3A_113, %dot_general3A_124 : vector<1024x256xf32>
    %slice3A_126 = vector.extract_strided_slice %get3A_3 {offsets = [33, 0], sizes = [991, 384], strides = [1, 1]} : vector<1024x384xf32> to vector<991x384xf32>
    %broadcast_in_dim3A_127 = arith.constant 0.000000e+00 : f32
    %broadcast_in_dim3A_128 = vector.broadcast %broadcast_in_dim3A_127 : f32 to vector<33x384xf32>
    %concatenate3A_129 = tpu.concatenate %slice3A_126, %broadcast_in_dim3A_128 in 0 : vector<991x384xf32>, vector<33x384xf32> -> vector<1024x384xf32>
    %le3A_130 = arith.constant 30 : i32
    %le3A_131 = vector.broadcast %le3A_130 : i32 to vector<1024x1xi32>
    %le3A_132 = arith.cmpi sle, %and3A_5, %le3A_131 : vector<1024x1xi32>
    %convert_element_type3A_133 = arith.extui %le3A_132 : vector<1024x1xi1> to vector<1024x1xi32>
    %convert_element_type3A_134 = arith.sitofp %convert_element_type3A_133 : vector<1024x1xi32> to vector<1024x1xf32>
    %mul3A_135 = vector.broadcast %convert_element_type3A_134 : vector<1024x1xf32> to vector<1024x384xf32>
    %mul3A_136 = arith.mulf %concatenate3A_129, %mul3A_135 : vector<1024x384xf32>
    %get3A_137 = arith.constant 8 : index
    %get3A_138 = arith.constant 0 : index
    %get3A_139 = arith.constant 0 : index
    %get3A_140 = vector.load %arg2[%get3A_137, %get3A_138, %get3A_139] : memref<9x384x256xf32, #tpu.memory_space<vmem>>, vector<1x384x256xf32>
    %get3A_141 = vector.shape_cast %get3A_140 : vector<1x384x256xf32> to vector<384x256xf32>
    %dot_general3A_142 = arith.constant dense<0.000000e+00> : vector<1024x256xf32>
    %dot_general3A_143 = tpu.matmul %mul3A_136, %get3A_141, %dot_general3A_142 {dimension_numbers = #tpu.dot_dimension_numbers<[1], [0], [0], [1], [0, 0, 1, 1], [], []>, transpose_lhs_hint = false} : vector<1024x384xf32>, vector<384x256xf32>, vector<1024x256xf32> -> vector<1024x256xf32>
    %add3A_144 = arith.addf %add3A_125, %dot_general3A_143 : vector<1024x256xf32>
    %get3A_145 = arith.constant 0 : index
    %get3A_146 = arith.constant 0 : index
    %get3A_147 = vector.load %arg4[%get3A_145, %get3A_146] : memref<1x256xf32, #tpu.memory_space<vmem>>, vector<1x256xf32>
    %add3A_148 = vector.broadcast %get3A_147 : vector<1x256xf32> to vector<1024x256xf32>
    %add3A_149 = arith.addf %add3A_144, %add3A_148 : vector<1024x256xf32>
    %max3A = arith.constant 0.000000e+00 : f32
    %max3A_150 = vector.broadcast %max3A : f32 to vector<1024x256xf32>
    %max3A_151 = arith.maximumf %add3A_149, %max3A_150 : vector<1024x256xf32>
    %get3A_152 = arith.constant 0 : index
    %get3A_153 = arith.constant 0 : index
    %get3A_154 = vector.load %arg3[%get3A_152, %get3A_153] : memref<256x80xf32, #tpu.memory_space<vmem>>, vector<256x80xf32>
    %dot_general3A_155 = arith.constant dense<0.000000e+00> : vector<1024x80xf32>
    %dot_general3A_156 = tpu.matmul %max3A_151, %get3A_154, %dot_general3A_155 {dimension_numbers = #tpu.dot_dimension_numbers<[1], [0], [0], [1], [0, 0, 1, 1], [], []>, transpose_lhs_hint = false} : vector<1024x256xf32>, vector<256x80xf32>, vector<1024x80xf32> -> vector<1024x80xf32>
    %get3A_157 = arith.constant 0 : index
    %get3A_158 = arith.constant 0 : index
    %get3A_159 = vector.load %arg5[%get3A_157, %get3A_158] : memref<1x80xf32, #tpu.memory_space<vmem>>, vector<1x80xf32>
    %add3A_160 = vector.broadcast %get3A_159 : vector<1x80xf32> to vector<1024x80xf32>
    %add3A_161 = arith.addf %dot_general3A_156, %add3A_160 : vector<1024x80xf32>
    %slice3A_162 = vector.extract_strided_slice %add3A_161 {offsets = [0, 0], sizes = [1024, 9], strides = [1, 1]} : vector<1024x80xf32> to vector<1024x9xf32>
    %slice3A_163 = vector.extract_strided_slice %add3A_161 {offsets = [0, 16], sizes = [1024, 9], strides = [1, 1]} : vector<1024x80xf32> to vector<1024x9xf32>
    %slice3A_164 = vector.extract_strided_slice %add3A_161 {offsets = [0, 32], sizes = [1024, 9], strides = [1, 1]} : vector<1024x80xf32> to vector<1024x9xf32>
    %slice3A_165 = vector.extract_strided_slice %add3A_161 {offsets = [0, 48], sizes = [1024, 9], strides = [1, 1]} : vector<1024x80xf32> to vector<1024x9xf32>
    %slice3A_166 = vector.extract_strided_slice %add3A_161 {offsets = [0, 64], sizes = [1024, 9], strides = [1, 1]} : vector<1024x80xf32> to vector<1024x9xf32>
    %get3A_167 = arith.constant 0 : index
    %get3A_168 = arith.constant 0 : index
    %get3A_169 = vector.load %arg7[%get3A_167, %get3A_168] : memref<1x9xf32, #tpu.memory_space<vmem>>, vector<1x9xf32>
    %get3A_170 = arith.constant 0 : index
    %get3A_171 = arith.constant 0 : index
    %get3A_172 = vector.load %arg8[%get3A_170, %get3A_171] : memref<1x9xf32, #tpu.memory_space<vmem>>, vector<1x9xf32>
    %get3A_173 = arith.constant 0 : index
    %get3A_174 = arith.constant 0 : index
    %get3A_175 = vector.load %arg9[%get3A_173, %get3A_174] : memref<1024x9xf32, #tpu.memory_space<vmem>>, vector<1024x9xf32>
    %mul3A_176 = vector.broadcast %get3A_169 : vector<1x9xf32> to vector<1024x9xf32>
    %mul3A_177 = arith.mulf %slice3A_163, %mul3A_176 : vector<1024x9xf32>
    %add3A_178 = arith.addf %get3A_175, %mul3A_177 : vector<1024x9xf32>
    %get3A_179 = arith.constant 0 : index
    %get3A_180 = arith.constant 0 : index
    %get3A_181 = vector.load %arg10[%get3A_179, %get3A_180] : memref<1024x9xf32, #tpu.memory_space<vmem>>, vector<1024x9xf32>
    %mul3A_182 = vector.broadcast %get3A_172 : vector<1x9xf32> to vector<1024x9xf32>
    %mul3A_183 = arith.mulf %slice3A_164, %mul3A_182 : vector<1024x9xf32>
    %add3A_184 = arith.addf %get3A_181, %mul3A_183 : vector<1024x9xf32>
    %exp3A = math.exp %slice3A_165 : vector<1024x9xf32>
    %mul3A_185 = vector.broadcast %get3A_169 : vector<1x9xf32> to vector<1024x9xf32>
    %mul3A_186 = arith.mulf %mul3A_185, %exp3A : vector<1024x9xf32>
    %exp3A_187 = math.exp %slice3A_166 : vector<1024x9xf32>
    %mul3A_188 = vector.broadcast %get3A_172 : vector<1x9xf32> to vector<1024x9xf32>
    %mul3A_189 = arith.mulf %mul3A_188, %exp3A_187 : vector<1024x9xf32>
    %get3A_190 = arith.constant 0 : index
    %get3A_191 = memref.load %arg6[%get3A_190] : memref<2xi32, #tpu.memory_space<smem>>
    %convert_element_type3A_192 = arith.sitofp %get3A_191 : i32 to f32
    %get3A_193 = arith.constant 1 : index
    %get3A_194 = memref.load %arg6[%get3A_193] : memref<2xi32, #tpu.memory_space<smem>>
    %convert_element_type3A_195 = arith.sitofp %get3A_194 : i32 to f32
    %swap3A = arith.constant 0 : index
    %swap3A_196 = arith.constant 0 : index
    %swap3A_197 = arith.constant 0 : index
    %swap3A_198 = vector.load %arg11[%swap3A, %swap3A_196, %swap3A_197] : memref<1x1024x9xf32, #tpu.memory_space<vmem>>, vector<1x1024x9xf32>
    %swap3A_199 = vector.shape_cast %swap3A_198 : vector<1x1024x9xf32> to vector<1024x9xf32>
    %swap3A_200 = vector.shape_cast %slice3A_162 : vector<1024x9xf32> to vector<1x1024x9xf32>
    tpu.vector_store %arg11[%swap3A, %swap3A_196, %swap3A_197], %swap3A_200 {strides = array<i32>} : memref<1x1024x9xf32, #tpu.memory_space<vmem>>, vector<1x1024x9xf32>,
    %mul3A_201 = arith.constant 5.000000e-01 : f32
    %mul3A_202 = vector.broadcast %mul3A_201 : f32 to vector<1024x9xf32>
    %mul3A_203 = arith.mulf %mul3A_202, %mul3A_186 : vector<1024x9xf32>
    %sub3A = arith.subf %add3A_178, %mul3A_203 : vector<1024x9xf32>
    %max3A_204 = arith.constant 0.000000e+00 : f32
    %max3A_205 = vector.broadcast %max3A_204 : f32 to vector<1024x9xf32>
    %max3A_206 = arith.maximumf %sub3A, %max3A_205 : vector<1024x9xf32>
    %min3A = vector.broadcast %convert_element_type3A_195 : f32 to vector<1024x9xf32>
    %min3A_207 = arith.minimumf %max3A_206, %min3A : vector<1024x9xf32>
    %swap3A_208 = arith.constant 0 : index
    %swap3A_209 = arith.constant 0 : index
    %swap3A_210 = arith.constant 0 : index
    %swap3A_211 = vector.load %arg12[%swap3A_208, %swap3A_209, %swap3A_210] : memref<1x1024x9xf32, #tpu.memory_space<vmem>>, vector<1x1024x9xf32>
    %swap3A_212 = vector.shape_cast %swap3A_211 : vector<1x1024x9xf32> to vector<1024x9xf32>
    %swap3A_213 = vector.shape_cast %min3A_207 : vector<1024x9xf32> to vector<1x1024x9xf32>
    tpu.vector_store %arg12[%swap3A_208, %swap3A_209, %swap3A_210], %swap3A_213 {strides = array<i32>} : memref<1x1024x9xf32, #tpu.memory_space<vmem>>, vector<1x1024x9xf32>,
    %mul3A_214 = arith.constant 5.000000e-01 : f32
    %mul3A_215 = vector.broadcast %mul3A_214 : f32 to vector<1024x9xf32>
    %mul3A_216 = arith.mulf %mul3A_215, %mul3A_189 : vector<1024x9xf32>
    %sub3A_217 = arith.subf %add3A_184, %mul3A_216 : vector<1024x9xf32>
    %max3A_218 = arith.constant 0.000000e+00 : f32
    %max3A_219 = vector.broadcast %max3A_218 : f32 to vector<1024x9xf32>
    %max3A_220 = arith.maximumf %sub3A_217, %max3A_219 : vector<1024x9xf32>
    %min3A_221 = vector.broadcast %convert_element_type3A_192 : f32 to vector<1024x9xf32>
    %min3A_222 = arith.minimumf %max3A_220, %min3A_221 : vector<1024x9xf32>
    %swap3A_223 = arith.constant 0 : index
    %swap3A_224 = arith.constant 0 : index
    %swap3A_225 = arith.constant 0 : index
    %swap3A_226 = vector.load %arg13[%swap3A_223, %swap3A_224, %swap3A_225] : memref<1x1024x9xf32, #tpu.memory_space<vmem>>, vector<1x1024x9xf32>
    %swap3A_227 = vector.shape_cast %swap3A_226 : vector<1x1024x9xf32> to vector<1024x9xf32>
    %swap3A_228 = vector.shape_cast %min3A_222 : vector<1024x9xf32> to vector<1x1024x9xf32>
    tpu.vector_store %arg13[%swap3A_223, %swap3A_224, %swap3A_225], %swap3A_228 {strides = array<i32>} : memref<1x1024x9xf32, #tpu.memory_space<vmem>>, vector<1x1024x9xf32>,
    %mul3A_229 = arith.constant 5.000000e-01 : f32
    %mul3A_230 = vector.broadcast %mul3A_229 : f32 to vector<1024x9xf32>
    %mul3A_231 = arith.mulf %mul3A_230, %mul3A_186 : vector<1024x9xf32>
    %add3A_232 = arith.addf %add3A_178, %mul3A_231 : vector<1024x9xf32>
    %max3A_233 = arith.constant 0.000000e+00 : f32
    %max3A_234 = vector.broadcast %max3A_233 : f32 to vector<1024x9xf32>
    %max3A_235 = arith.maximumf %add3A_232, %max3A_234 : vector<1024x9xf32>
    %min3A_236 = vector.broadcast %convert_element_type3A_195 : f32 to vector<1024x9xf32>
    %min3A_237 = arith.minimumf %max3A_235, %min3A_236 : vector<1024x9xf32>
    %swap3A_238 = arith.constant 0 : index
    %swap3A_239 = arith.constant 0 : index
    %swap3A_240 = arith.constant 0 : index
    %swap3A_241 = vector.load %arg14[%swap3A_238, %swap3A_239, %swap3A_240] : memref<1x1024x9xf32, #tpu.memory_space<vmem>>, vector<1x1024x9xf32>
    %swap3A_242 = vector.shape_cast %swap3A_241 : vector<1x1024x9xf32> to vector<1024x9xf32>
    %swap3A_243 = vector.shape_cast %min3A_237 : vector<1024x9xf32> to vector<1x1024x9xf32>
    tpu.vector_store %arg14[%swap3A_238, %swap3A_239, %swap3A_240], %swap3A_243 {strides = array<i32>} : memref<1x1024x9xf32, #tpu.memory_space<vmem>>, vector<1x1024x9xf32>,
    %mul3A_244 = arith.constant 5.000000e-01 : f32
    %mul3A_245 = vector.broadcast %mul3A_244 : f32 to vector<1024x9xf32>
    %mul3A_246 = arith.mulf %mul3A_245, %mul3A_189 : vector<1024x9xf32>
    %add3A_247 = arith.addf %add3A_184, %mul3A_246 : vector<1024x9xf32>
    %max3A_248 = arith.constant 0.000000e+00 : f32
    %max3A_249 = vector.broadcast %max3A_248 : f32 to vector<1024x9xf32>
    %max3A_250 = arith.maximumf %add3A_247, %max3A_249 : vector<1024x9xf32>
    %min3A_251 = vector.broadcast %convert_element_type3A_192 : f32 to vector<1024x9xf32>
    %min3A_252 = arith.minimumf %max3A_250, %min3A_251 : vector<1024x9xf32>
    %swap3A_253 = arith.constant 0 : index
    %swap3A_254 = arith.constant 0 : index
    %swap3A_255 = arith.constant 0 : index
    %swap3A_256 = vector.load %arg15[%swap3A_253, %swap3A_254, %swap3A_255] : memref<1x1024x9xf32, #tpu.memory_space<vmem>>, vector<1x1024x9xf32>
    %swap3A_257 = vector.shape_cast %swap3A_256 : vector<1x1024x9xf32> to vector<1024x9xf32>
    %swap3A_258 = vector.shape_cast %min3A_252 : vector<1024x9xf32> to vector<1x1024x9xf32>
    tpu.vector_store %arg15[%swap3A_253, %swap3A_254, %swap3A_255], %swap3A_258 {strides = array<i32>} : memref<1x1024x9xf32, #tpu.memory_space<vmem>>, vector<1x1024x9xf32>,
    return
  }
  func.func @transform_0(%arg0: i32) -> (i32, i32, i32) {
    %c0_i32 = arith.constant 0 : i32
    %c0_i32_0 = arith.constant 0 : i32
    %c0_i32_1 = arith.constant 0 : i32
    return %arg0, %c0_i32, %c0_i32_0 : i32, i32, i32
  }
  func.func @transform_1(%arg0: i32) -> (i32, i32, i32) {
    %c0_i32 = arith.constant 0 : i32
    %c0_i32_0 = arith.constant 0 : i32
    %c0_i32_1 = arith.constant 0 : i32
    %c0_i32_2 = arith.constant 0 : i32
    return %c0_i32, %c0_i32_0, %c0_i32_1 : i32, i32, i32
  }
  func.func @transform_2(%arg0: i32) -> (i32, i32) {
    %c0_i32 = arith.constant 0 : i32
    %c0_i32_0 = arith.constant 0 : i32
    %c0_i32_1 = arith.constant 0 : i32
    return %c0_i32, %c0_i32_0 : i32, i32
  }
  func.func @transform_3(%arg0: i32) -> (i32, i32) {
    %c0_i32 = arith.constant 0 : i32
    %c0_i32_0 = arith.constant 0 : i32
    %c0_i32_1 = arith.constant 0 : i32
    return %c0_i32, %c0_i32_0 : i32, i32
  }
  func.func @transform_4(%arg0: i32) -> (i32, i32) {
    %c0_i32 = arith.constant 0 : i32
    %c0_i32_0 = arith.constant 0 : i32
    %c0_i32_1 = arith.constant 0 : i32
    return %c0_i32, %c0_i32_0 : i32, i32
  }
  func.func @transform_5(%arg0: i32) -> i32 {
    %c0_i32 = arith.constant 0 : i32
    %c0_i32_0 = arith.constant 0 : i32
    return %c0_i32 : i32
  }
  func.func @transform_6(%arg0: i32) -> (i32, i32) {
    %c0_i32 = arith.constant 0 : i32
    %c0_i32_0 = arith.constant 0 : i32
    %c0_i32_1 = arith.constant 0 : i32
    return %c0_i32, %c0_i32_0 : i32, i32
  }
  func.func @transform_7(%arg0: i32) -> (i32, i32) {
    %c0_i32 = arith.constant 0 : i32
    %c0_i32_0 = arith.constant 0 : i32
    %c0_i32_1 = arith.constant 0 : i32
    return %c0_i32, %c0_i32_0 : i32, i32
  }
  func.func @transform_8(%arg0: i32) -> (i32, i32) {
    %c0_i32 = arith.constant 0 : i32
    %c0_i32_0 = arith.constant 0 : i32
    %c0_i32_1 = arith.constant 0 : i32
    return %c0_i32, %c0_i32_0 : i32, i32
  }
  func.func @transform_9(%arg0: i32) -> (i32, i32) {
    %c0_i32 = arith.constant 0 : i32
    %c0_i32_0 = arith.constant 0 : i32
    %c0_i32_1 = arith.constant 0 : i32
    return %c0_i32, %c0_i32_0 : i32, i32
  }
  func.func @transform_10(%arg0: i32) -> (i32, i32, i32) {
    %c0_i32 = arith.constant 0 : i32
    %c0_i32_0 = arith.constant 0 : i32
    %c0_i32_1 = arith.constant 0 : i32
    return %arg0, %c0_i32, %c0_i32_0 : i32, i32, i32
  }
  func.func @transform_11(%arg0: i32) -> (i32, i32, i32) {
    %c0_i32 = arith.constant 0 : i32
    %c0_i32_0 = arith.constant 0 : i32
    %c0_i32_1 = arith.constant 0 : i32
    return %arg0, %c0_i32, %c0_i32_0 : i32, i32, i32
  }
  func.func @transform_12(%arg0: i32) -> (i32, i32, i32) {
    %c0_i32 = arith.constant 0 : i32
    %c0_i32_0 = arith.constant 0 : i32
    %c0_i32_1 = arith.constant 0 : i32
    return %arg0, %c0_i32, %c0_i32_0 : i32, i32, i32
  }
  func.func @transform_13(%arg0: i32) -> (i32, i32, i32) {
    %c0_i32 = arith.constant 0 : i32
    %c0_i32_0 = arith.constant 0 : i32
    %c0_i32_1 = arith.constant 0 : i32
    return %arg0, %c0_i32, %c0_i32_0 : i32, i32, i32
  }
  func.func @transform_14(%arg0: i32) -> (i32, i32, i32) {
    %c0_i32 = arith.constant 0 : i32
    %c0_i32_0 = arith.constant 0 : i32
    %c0_i32_1 = arith.constant 0 : i32
    return %arg0, %c0_i32, %c0_i32_0 : i32, i32, i32
  }
}

module attributes {stable_mosaic.version = 14 : i64} {
  func.func @_tau_body(%arg0: memref<4x9216xf32, #tpu.memory_space<vmem>>, %arg1: memref<4x1xi32, #tpu.memory_space<vmem>>, %arg2: memref<4x9216xi32, #tpu.memory_space<vmem>>) attributes {dimension_semantics = [], scalar_prefetch = 0 : i64, scratch_operands = 0 : i64, tpu.core_type = #tpu.core_type<tc>} {
    %get3A = arith.constant 0 : index
    %get3A_0 = arith.constant 0 : index
    %get3A_1 = vector.load %arg0[%get3A, %get3A_0] : memref<4x9216xf32, #tpu.memory_space<vmem>>, vector<4x9216xf32>
    %bitcast_convert_type3A = tpu.bitcast %get3A_1 : vector<4x9216xf32> -> vector<4x9216xi32>
    %shift_right_arithmetic3A = arith.constant 31 : i32
    %shift_right_arithmetic3A_2 = vector.broadcast %shift_right_arithmetic3A : i32 to vector<4x9216xi32>
    %shift_right_arithmetic3A_3 = arith.shrsi %bitcast_convert_type3A, %shift_right_arithmetic3A_2 : vector<4x9216xi32>
    %and3A = arith.constant 2147483647 : i32
    %and3A_4 = vector.broadcast %and3A : i32 to vector<4x9216xi32>
    %and3A_5 = arith.andi %shift_right_arithmetic3A_3, %and3A_4 : vector<4x9216xi32>
    %xor3A = arith.xori %bitcast_convert_type3A, %and3A_5 : vector<4x9216xi32>
    %swap3A = arith.constant 0 : index
    %swap3A_6 = arith.constant 0 : index
    %swap3A_7 = vector.load %arg2[%swap3A, %swap3A_6] : memref<4x9216xi32, #tpu.memory_space<vmem>>, vector<4x9216xi32>
    tpu.vector_store %arg2[%swap3A, %swap3A_6], %xor3A {strides = array<i32>} : memref<4x9216xi32, #tpu.memory_space<vmem>>, vector<4x9216xi32>,
    %xor3A_8 = arith.constant -2147483648 : i32
    %xor3A_9 = vector.broadcast %xor3A_8 : i32 to vector<4x9216xi32>
    %xor3A_10 = arith.xori %xor3A, %xor3A_9 : vector<4x9216xi32>
    %broadcast_in_dim3A = arith.constant 0 : i32
    %broadcast_in_dim3A_11 = vector.broadcast %broadcast_in_dim3A : i32 to vector<4x1xi32>
    %scan3A = arith.constant 0 : i32
    %scan3A_12 = arith.constant 32 : i32
    %scan3A_13 = arith.addi %scan3A, %scan3A_12 : i32
    %scan3A_14 = arith.constant 1 : i32
    %scan3A_15 = scf.for %scan3A_23 = %scan3A to %scan3A_13 step %scan3A_14 iter_args(%scan3A_24 = %broadcast_in_dim3A_11) -> (vector<4x1xi32>)  : i32 {
      %sub3A = arith.constant 31 : i32
      %sub3A_25 = arith.subi %sub3A, %scan3A_23 : i32
      %shift_left3A = arith.constant 1 : i32
      %shift_left3A_26 = arith.shli %shift_left3A, %sub3A_25 : i32
      %or3A = vector.broadcast %shift_left3A_26 : i32 to vector<4x1xi32>
      %or3A_27 = arith.ori %scan3A_24, %or3A : vector<4x1xi32>
      %shift_left3A_28 = arith.constant 1 : i32
      %shift_left3A_29 = arith.shli %shift_left3A_28, %sub3A_25 : i32
      %sub3A_30 = arith.constant 1 : i32
      %sub3A_31 = arith.subi %shift_left3A_29, %sub3A_30 : i32
      %not3A = arith.constant -1 : i32
      %not3A_32 = arith.xori %sub3A_31, %not3A : i32
      %and3A_33 = vector.broadcast %not3A_32 : i32 to vector<4x9216xi32>
      %and3A_34 = arith.andi %xor3A_10, %and3A_33 : vector<4x9216xi32>
      %xor3A_35 = arith.constant -2147483648 : i32
      %xor3A_36 = vector.broadcast %xor3A_35 : i32 to vector<4x9216xi32>
      %xor3A_37 = arith.xori %and3A_34, %xor3A_36 : vector<4x9216xi32>
      %xor3A_38 = arith.constant -2147483648 : i32
      %xor3A_39 = vector.broadcast %xor3A_38 : i32 to vector<4x1xi32>
      %xor3A_40 = arith.xori %or3A_27, %xor3A_39 : vector<4x1xi32>
      %ge3A = vector.broadcast %xor3A_40 : vector<4x1xi32> to vector<4x9216xi32>
      %ge3A_41 = arith.cmpi sge, %xor3A_37, %ge3A : vector<4x9216xi32>
      %convert_element_type3A = arith.extui %ge3A_41 : vector<4x9216xi1> to vector<4x9216xi32>
      %reduce_sum3A = arith.constant dense<0> : vector<4xi32>
      %reduce_sum3A_42 = vector.multi_reduction <add>, %convert_element_type3A, %reduce_sum3A [1] : vector<4x9216xi32> to vector<4xi32>
      %broadcast_in_dim3A_43 = vector.shape_cast %reduce_sum3A_42 : vector<4xi32> to vector<4x1xi32>
      %ge3A_44 = arith.constant 600 : i32
      %ge3A_45 = vector.broadcast %ge3A_44 : i32 to vector<4x1xi32>
      %ge3A_46 = arith.cmpi sge, %broadcast_in_dim3A_43, %ge3A_45 : vector<4x1xi32>
      %select_n3A = arith.select %ge3A_46, %or3A_27, %scan3A_24 : vector<4x1xi1>, vector<4x1xi32>
      scf.yield %select_n3A : vector<4x1xi32>
    }
    %scan3A_16 = arith.constant 32 : i32
    %xor3A_17 = arith.constant -2147483648 : i32
    %xor3A_18 = vector.broadcast %xor3A_17 : i32 to vector<4x1xi32>
    %xor3A_19 = arith.xori %scan3A_15, %xor3A_18 : vector<4x1xi32>
    %swap3A_20 = arith.constant 0 : index
    %swap3A_21 = arith.constant 0 : index
    %swap3A_22 = vector.load %arg1[%swap3A_20, %swap3A_21] : memref<4x1xi32, #tpu.memory_space<vmem>>, vector<4x1xi32>
    tpu.vector_store %arg1[%swap3A_20, %swap3A_21], %xor3A_19 {strides = array<i32>} : memref<4x1xi32, #tpu.memory_space<vmem>>, vector<4x1xi32>,
    return
  }
}

module attributes {stable_mosaic.version = 14 : i64} {
  func.func @_nms_body(%arg0: i32, %arg1: memref<1x1x640xf32, #tpu.memory_space<vmem>>, %arg2: memref<1x640x1xf32, #tpu.memory_space<vmem>>, %arg3: memref<1x1x640xi32, #tpu.memory_space<vmem>>, %arg4: memref<1x640x1xi32, #tpu.memory_space<vmem>>, %arg5: memref<1x640x4xf32, #tpu.memory_space<vmem>>, %arg6: memref<1x4x640xf32, #tpu.memory_space<vmem>>, %arg7: memref<4x104x4xf32, #tpu.memory_space<vmem>>, %arg8: memref<4x640x640xf32, #tpu.memory_space<vmem>>, %arg9: memref<4x640x4xf32, #tpu.memory_space<vmem>>) attributes {dimension_semantics = [#tpu.dimension_semantics<arbitrary>], iteration_bounds = array<i64: 4>, scalar_prefetch = 0 : i64, scratch_operands = 2 : i64, tpu.core_type = #tpu.core_type<tc>, window_params = [{transform_indices = @transform_0, window_bounds = array<i64: 1, 1, 640>}, {transform_indices = @transform_1, window_bounds = array<i64: 1, 640, 1>}, {transform_indices = @transform_2, window_bounds = array<i64: 1, 1, 640>}, {transform_indices = @transform_3, window_bounds = array<i64: 1, 640, 1>}, {transform_indices = @transform_4, window_bounds = array<i64: 1, 640, 4>}, {transform_indices = @transform_5, window_bounds = array<i64: 1, 4, 640>}, {pipeline_mode = #tpu.pipeline_mode<synchronous>, transform_indices = @transform_6, window_bounds = array<i64: 4, 104, 4>}]} {
    %get3A = arith.constant 0 : index
    %get3A_0 = arith.constant 0 : index
    %get3A_1 = arith.constant 0 : index
    %get3A_2 = vector.load %arg1[%get3A, %get3A_0, %get3A_1] : memref<1x1x640xf32, #tpu.memory_space<vmem>>, vector<1x1x640xf32>
    %get3A_3 = vector.shape_cast %get3A_2 : vector<1x1x640xf32> to vector<1x640xf32>
    %get3A_4 = arith.constant 0 : index
    %get3A_5 = arith.constant 0 : index
    %get3A_6 = arith.constant 0 : index
    %get3A_7 = vector.load %arg2[%get3A_4, %get3A_5, %get3A_6] : memref<1x640x1xf32, #tpu.memory_space<vmem>>, vector<1x640x1xf32>
    %get3A_8 = vector.shape_cast %get3A_7 : vector<1x640x1xf32> to vector<640x1xf32>
    %get3A_9 = arith.constant 0 : index
    %get3A_10 = arith.constant 0 : index
    %get3A_11 = arith.constant 0 : index
    %get3A_12 = vector.load %arg3[%get3A_9, %get3A_10, %get3A_11] : memref<1x1x640xi32, #tpu.memory_space<vmem>>, vector<1x1x640xi32>
    %get3A_13 = vector.shape_cast %get3A_12 : vector<1x1x640xi32> to vector<1x640xi32>
    %get3A_14 = arith.constant 0 : index
    %get3A_15 = arith.constant 0 : index
    %get3A_16 = arith.constant 0 : index
    %get3A_17 = vector.load %arg4[%get3A_14, %get3A_15, %get3A_16] : memref<1x640x1xi32, #tpu.memory_space<vmem>>, vector<1x640x1xi32>
    %get3A_18 = vector.shape_cast %get3A_17 : vector<1x640x1xi32> to vector<640x1xi32>
    %get3A_19 = arith.constant 0 : index
    %get3A_20 = arith.constant 0 : index
    %get3A_21 = arith.constant 0 : index
    %get3A_22 = vector.load %arg5[%get3A_19, %get3A_20, %get3A_21] : memref<1x640x4xf32, #tpu.memory_space<vmem>>, vector<1x640x4xf32>
    %get3A_23 = vector.shape_cast %get3A_22 : vector<1x640x4xf32> to vector<640x4xf32>
    %get3A_24 = arith.constant 0 : index
    %get3A_25 = arith.constant 0 : index
    %get3A_26 = arith.constant 0 : index
    %get3A_27 = vector.load %arg6[%get3A_24, %get3A_25, %get3A_26] : memref<1x4x640xf32, #tpu.memory_space<vmem>>, vector<1x4x640xf32>
    %get3A_28 = vector.shape_cast %get3A_27 : vector<1x4x640xf32> to vector<4x640xf32>
    %gt3A = vector.broadcast %get3A_3 : vector<1x640xf32> to vector<640x640xf32>
    %gt3A_29 = vector.broadcast %get3A_8 : vector<640x1xf32> to vector<640x640xf32>
    %gt3A_30 = arith.cmpf ogt, %gt3A, %gt3A_29 : vector<640x640xf32>
    %eq3A = vector.broadcast %get3A_3 : vector<1x640xf32> to vector<640x640xf32>
    %eq3A_31 = vector.broadcast %get3A_8 : vector<640x1xf32> to vector<640x640xf32>
    %eq3A_32 = arith.cmpf oeq, %eq3A, %eq3A_31 : vector<640x640xf32>
    %lt3A = vector.broadcast %get3A_13 : vector<1x640xi32> to vector<640x640xi32>
    %lt3A_33 = vector.broadcast %get3A_18 : vector<640x1xi32> to vector<640x640xi32>
    %lt3A_34 = arith.cmpi slt, %lt3A, %lt3A_33 : vector<640x640xi32>
    %and3A = arith.andi %eq3A_32, %lt3A_34 : vector<640x640xi1>
    %or3A = arith.ori %gt3A_30, %and3A : vector<640x640xi1>
    %convert_element_type3A = arith.extui %or3A : vector<640x640xi1> to vector<640x640xi32>
    %convert_element_type3A_35 = arith.sitofp %convert_element_type3A : vector<640x640xi32> to vector<640x640xf32>
    %reduce_sum3A = arith.constant dense<0.000000e+00> : vector<640xf32>
    %reduce_sum3A_36 = vector.multi_reduction <add>, %convert_element_type3A_35, %reduce_sum3A [1] : vector<640x640xf32> to vector<640xf32>
    %broadcast_in_dim3A = vector.shape_cast %reduce_sum3A_36 : vector<640xf32> to vector<640x1xf32>
    %gt3A_37 = vector.broadcast %get3A_8 : vector<640x1xf32> to vector<640x640xf32>
    %gt3A_38 = vector.broadcast %get3A_3 : vector<1x640xf32> to vector<640x640xf32>
    %gt3A_39 = arith.cmpf ogt, %gt3A_37, %gt3A_38 : vector<640x640xf32>
    %eq3A_40 = vector.broadcast %get3A_8 : vector<640x1xf32> to vector<640x640xf32>
    %eq3A_41 = vector.broadcast %get3A_3 : vector<1x640xf32> to vector<640x640xf32>
    %eq3A_42 = arith.cmpf oeq, %eq3A_40, %eq3A_41 : vector<640x640xf32>
    %lt3A_43 = vector.broadcast %get3A_18 : vector<640x1xi32> to vector<640x640xi32>
    %lt3A_44 = vector.broadcast %get3A_13 : vector<1x640xi32> to vector<640x640xi32>
    %lt3A_45 = arith.cmpi slt, %lt3A_43, %lt3A_44 : vector<640x640xi32>
    %and3A_46 = arith.andi %eq3A_42, %lt3A_45 : vector<640x640xi1>
    %or3A_47 = arith.ori %gt3A_39, %and3A_46 : vector<640x640xi1>
    %convert_element_type3A_48 = arith.extui %or3A_47 : vector<640x640xi1> to vector<640x640xi32>
    %convert_element_type3A_49 = arith.sitofp %convert_element_type3A_48 : vector<640x640xi32> to vector<640x640xf32>
    %reduce_sum3A_50 = arith.constant dense<0.000000e+00> : vector<640xf32>
    %reduce_sum3A_51 = vector.multi_reduction <add>, %convert_element_type3A_49, %reduce_sum3A_50 [0] : vector<640x640xf32> to vector<640xf32>
    %broadcast_in_dim3A_52 = vector.shape_cast %reduce_sum3A_51 : vector<640xf32> to vector<1x640xf32>
    %iota3A = tpu.iota {dimensions = array<i32: 0>} : vector<640x1xi32>
    %convert_element_type3A_53 = arith.sitofp %iota3A : vector<640x1xi32> to vector<640x1xf32>
    %iota3A_54 = tpu.iota {dimensions = array<i32: 1>} : vector<1x640xi32>
    %convert_element_type3A_55 = arith.sitofp %iota3A_54 : vector<1x640xi32> to vector<1x640xf32>
    %eq3A_56 = vector.broadcast %convert_element_type3A_53 : vector<640x1xf32> to vector<640x640xf32>
    %eq3A_57 = vector.broadcast %broadcast_in_dim3A_52 : vector<1x640xf32> to vector<640x640xf32>
    %eq3A_58 = arith.cmpf oeq, %eq3A_56, %eq3A_57 : vector<640x640xf32>
    %convert_element_type3A_59 = arith.extui %eq3A_58 : vector<640x640xi1> to vector<640x640xi32>
    %convert_element_type3A_60 = arith.sitofp %convert_element_type3A_59 : vector<640x640xi32> to vector<640x640xf32>
    %eq3A_61 = vector.broadcast %broadcast_in_dim3A : vector<640x1xf32> to vector<640x640xf32>
    %eq3A_62 = vector.broadcast %convert_element_type3A_55 : vector<1x640xf32> to vector<640x640xf32>
    %eq3A_63 = arith.cmpf oeq, %eq3A_61, %eq3A_62 : vector<640x640xf32>
    %convert_element_type3A_64 = arith.extui %eq3A_63 : vector<640x640xi1> to vector<640x640xi32>
    %convert_element_type3A_65 = arith.sitofp %convert_element_type3A_64 : vector<640x640xi32> to vector<640x640xf32>
    %dot_general3A = arith.constant dense<0.000000e+00> : vector<640x4xf32>
    %dot_general3A_66 = tpu.matmul %convert_element_type3A_60, %get3A_23, %dot_general3A {dimension_numbers = #tpu.dot_dimension_numbers<[1], [0], [0], [1], [0, 0, 1, 1], [], []>, transpose_lhs_hint = false} : vector<640x640xf32>, vector<640x4xf32>, vector<640x4xf32> -> vector<640x4xf32>
    %dot_general3A_67 = arith.constant dense<0.000000e+00> : vector<4x640xf32>
    %dot_general3A_68 = tpu.matmul %get3A_28, %convert_element_type3A_65, %dot_general3A_67 {dimension_numbers = #tpu.dot_dimension_numbers<[1], [0], [0], [1], [0, 0, 1, 1], [], []>, transpose_lhs_hint = false} : vector<4x640xf32>, vector<640x640xf32>, vector<4x640xf32> -> vector<4x640xf32>
    %slice3A = vector.extract_strided_slice %dot_general3A_66 {offsets = [0, 0], sizes = [640, 1], strides = [1, 1]} : vector<640x4xf32> to vector<640x1xf32>
    %slice3A_69 = vector.extract_strided_slice %dot_general3A_66 {offsets = [0, 1], sizes = [640, 1], strides = [1, 1]} : vector<640x4xf32> to vector<640x1xf32>
    %slice3A_70 = vector.extract_strided_slice %dot_general3A_66 {offsets = [0, 2], sizes = [640, 1], strides = [1, 1]} : vector<640x4xf32> to vector<640x1xf32>
    %slice3A_71 = vector.extract_strided_slice %dot_general3A_66 {offsets = [0, 3], sizes = [640, 1], strides = [1, 1]} : vector<640x4xf32> to vector<640x1xf32>
    %slice3A_72 = vector.extract_strided_slice %dot_general3A_68 {offsets = [0, 0], sizes = [1, 640], strides = [1, 1]} : vector<4x640xf32> to vector<1x640xf32>
    %slice3A_73 = vector.extract_strided_slice %dot_general3A_68 {offsets = [1, 0], sizes = [1, 640], strides = [1, 1]} : vector<4x640xf32> to vector<1x640xf32>
    %slice3A_74 = vector.extract_strided_slice %dot_general3A_68 {offsets = [2, 0], sizes = [1, 640], strides = [1, 1]} : vector<4x640xf32> to vector<1x640xf32>
    %slice3A_75 = vector.extract_strided_slice %dot_general3A_68 {offsets = [3, 0], sizes = [1, 640], strides = [1, 1]} : vector<4x640xf32> to vector<1x640xf32>
    %sub3A = arith.subf %slice3A_70, %slice3A : vector<640x1xf32>
    %sub3A_76 = arith.subf %slice3A_71, %slice3A_69 : vector<640x1xf32>
    %mul3A = arith.mulf %sub3A, %sub3A_76 : vector<640x1xf32>
    %sub3A_77 = arith.subf %slice3A_74, %slice3A_72 : vector<1x640xf32>
    %sub3A_78 = arith.subf %slice3A_75, %slice3A_73 : vector<1x640xf32>
    %mul3A_79 = arith.mulf %sub3A_77, %sub3A_78 : vector<1x640xf32>
    %max3A = vector.broadcast %slice3A : vector<640x1xf32> to vector<640x640xf32>
    %max3A_80 = vector.broadcast %slice3A_72 : vector<1x640xf32> to vector<640x640xf32>
    %max3A_81 = arith.maximumf %max3A, %max3A_80 : vector<640x640xf32>
    %max3A_82 = vector.broadcast %slice3A_69 : vector<640x1xf32> to vector<640x640xf32>
    %max3A_83 = vector.broadcast %slice3A_73 : vector<1x640xf32> to vector<640x640xf32>
    %max3A_84 = arith.maximumf %max3A_82, %max3A_83 : vector<640x640xf32>
    %min3A = vector.broadcast %slice3A_70 : vector<640x1xf32> to vector<640x640xf32>
    %min3A_85 = vector.broadcast %slice3A_74 : vector<1x640xf32> to vector<640x640xf32>
    %min3A_86 = arith.minimumf %min3A, %min3A_85 : vector<640x640xf32>
    %min3A_87 = vector.broadcast %slice3A_71 : vector<640x1xf32> to vector<640x640xf32>
    %min3A_88 = vector.broadcast %slice3A_75 : vector<1x640xf32> to vector<640x640xf32>
    %min3A_89 = arith.minimumf %min3A_87, %min3A_88 : vector<640x640xf32>
    %sub3A_90 = arith.subf %min3A_86, %max3A_81 : vector<640x640xf32>
    %max3A_91 = arith.constant 0.000000e+00 : f32
    %max3A_92 = vector.broadcast %max3A_91 : f32 to vector<640x640xf32>
    %max3A_93 = arith.maximumf %sub3A_90, %max3A_92 : vector<640x640xf32>
    %sub3A_94 = arith.subf %min3A_89, %max3A_84 : vector<640x640xf32>
    %max3A_95 = arith.constant 0.000000e+00 : f32
    %max3A_96 = vector.broadcast %max3A_95 : f32 to vector<640x640xf32>
    %max3A_97 = arith.maximumf %sub3A_94, %max3A_96 : vector<640x640xf32>
    %mul3A_98 = arith.mulf %max3A_93, %max3A_97 : vector<640x640xf32>
    %add3A = vector.broadcast %mul3A : vector<640x1xf32> to vector<640x640xf32>
    %add3A_99 = vector.broadcast %mul3A_79 : vector<1x640xf32> to vector<640x640xf32>
    %add3A_100 = arith.addf %add3A, %add3A_99 : vector<640x640xf32>
    %sub3A_101 = arith.subf %add3A_100, %mul3A_98 : vector<640x640xf32>
    %gt3A_102 = arith.constant 0.000000e+00 : f32
    %gt3A_103 = vector.broadcast %gt3A_102 : f32 to vector<640x640xf32>
    %gt3A_104 = arith.cmpf ogt, %sub3A_101, %gt3A_103 : vector<640x640xf32>
    %gt3A_105 = arith.constant 0.000000e+00 : f32
    %gt3A_106 = vector.broadcast %gt3A_105 : f32 to vector<640x640xf32>
    %gt3A_107 = arith.cmpf ogt, %sub3A_101, %gt3A_106 : vector<640x640xf32>
    %jit3A = arith.constant 1.000000e+00 : f32
    %broadcast_in_dim3A_108 = vector.broadcast %jit3A : f32 to vector<640x640xf32>
    %select_n3A = arith.select %gt3A_107, %sub3A_101, %broadcast_in_dim3A_108 : vector<640x640xi1>, vector<640x640xf32>
    %div3A = arith.divf %mul3A_98, %select_n3A : vector<640x640xf32>
    %jit3A_109 = arith.constant 0.000000e+00 : f32
    %broadcast_in_dim3A_110 = vector.broadcast %jit3A_109 : f32 to vector<640x640xf32>
    %select_n3A_111 = arith.select %gt3A_104, %div3A, %broadcast_in_dim3A_110 : vector<640x640xi1>, vector<640x640xf32>
    %gt3A_112 = arith.constant 0.699999988 : f32
    %gt3A_113 = vector.broadcast %gt3A_112 : f32 to vector<640x640xf32>
    %gt3A_114 = arith.cmpf ogt, %select_n3A_111, %gt3A_113 : vector<640x640xf32>
    %convert_element_type3A_115 = arith.extui %gt3A_114 : vector<640x640xi1> to vector<640x640xi32>
    %convert_element_type3A_116 = arith.sitofp %convert_element_type3A_115 : vector<640x640xi32> to vector<640x640xf32>
    %swap3A = arith.index_cast %arg0 : i32 to index
    %swap3A_117 = arith.constant 0 : index
    %swap3A_118 = arith.constant 0 : index
    %swap3A_119 = vector.load %arg8[%swap3A, %swap3A_117, %swap3A_118] : memref<4x640x640xf32, #tpu.memory_space<vmem>>, vector<1x640x640xf32>
    %swap3A_120 = vector.shape_cast %swap3A_119 : vector<1x640x640xf32> to vector<640x640xf32>
    %swap3A_121 = vector.shape_cast %convert_element_type3A_116 : vector<640x640xf32> to vector<1x640x640xf32>
    tpu.vector_store %arg8[%swap3A, %swap3A_117, %swap3A_118], %swap3A_121 {strides = array<i32>} : memref<4x640x640xf32, #tpu.memory_space<vmem>>, vector<1x640x640xf32>,
    %swap3A_122 = arith.index_cast %arg0 : i32 to index
    %swap3A_123 = arith.constant 0 : index
    %swap3A_124 = arith.constant 0 : index
    %swap3A_125 = vector.load %arg9[%swap3A_122, %swap3A_123, %swap3A_124] : memref<4x640x4xf32, #tpu.memory_space<vmem>>, vector<1x640x4xf32>
    %swap3A_126 = vector.shape_cast %swap3A_125 : vector<1x640x4xf32> to vector<640x4xf32>
    %swap3A_127 = vector.shape_cast %dot_general3A_66 : vector<640x4xf32> to vector<1x640x4xf32>
    tpu.vector_store %arg9[%swap3A_122, %swap3A_123, %swap3A_124], %swap3A_127 {strides = array<i32>} : memref<4x640x4xf32, #tpu.memory_space<vmem>>, vector<1x640x4xf32>,
    %eq3A_128 = arith.constant 3 : i32
    %eq3A_129 = arith.cmpi eq, %arg0, %eq3A_128 : i32
    %convert_element_type3A_130 = arith.extui %eq3A_129 : i1 to i32
    %cond3A = arith.constant 0 : i32
    %cond3A_131 = arith.cmpi ne, %convert_element_type3A_130, %cond3A : i32
    scf.if %cond3A_131 {
      %iota3A_132 = tpu.iota {dimensions = array<i32: 1>} : vector<1x640xi32>
      %lt3A_133 = arith.constant 600 : i32
      %lt3A_134 = vector.broadcast %lt3A_133 : i32 to vector<1x640xi32>
      %lt3A_135 = arith.cmpi slt, %iota3A_132, %lt3A_134 : vector<1x640xi32>
      %convert_element_type3A_136 = arith.extui %lt3A_135 : vector<1x640xi1> to vector<1x640xi32>
      %convert_element_type3A_137 = arith.sitofp %convert_element_type3A_136 : vector<1x640xi32> to vector<1x640xf32>
      %broadcast_in_dim3A_138 = vector.shape_cast %convert_element_type3A_137 : vector<1x640xf32> to vector<1x640xf32>
      %broadcast_in_dim3A_139 = vector.broadcast %broadcast_in_dim3A_138 : vector<1x640xf32> to vector<4x640xf32>
      %scan3A = arith.constant 0 : i32
      %scan3A_140 = arith.constant 600 : i32
      %scan3A_141 = arith.addi %scan3A, %scan3A_140 : i32
      %scan3A_142 = arith.constant 1 : i32
      %scan3A_143 = scf.for %scan3A_254 = %scan3A to %scan3A_141 step %scan3A_142 iter_args(%scan3A_255 = %broadcast_in_dim3A_139) -> (vector<4x640xf32>)  : i32 {
        %eq3A_256 = vector.broadcast %scan3A_254 : i32 to vector<1x640xi32>
        %eq3A_257 = arith.cmpi eq, %iota3A_132, %eq3A_256 : vector<1x640xi32>
        %convert_element_type3A_258 = arith.extui %eq3A_257 : vector<1x640xi1> to vector<1x640xi32>
        %convert_element_type3A_259 = arith.sitofp %convert_element_type3A_258 : vector<1x640xi32> to vector<1x640xf32>
        %mul3A_260 = vector.broadcast %convert_element_type3A_259 : vector<1x640xf32> to vector<4x640xf32>
        %mul3A_261 = arith.mulf %scan3A_255, %mul3A_260 : vector<4x640xf32>
        %reduce_sum3A_262 = arith.constant dense<0.000000e+00> : vector<4xf32>
        %reduce_sum3A_263 = vector.multi_reduction <add>, %mul3A_261, %reduce_sum3A_262 [1] : vector<4x640xf32> to vector<4xf32>
        %broadcast_in_dim3A_264 = vector.shape_cast %reduce_sum3A_263 : vector<4xf32> to vector<4x1xf32>
        %get3A_265 = arith.constant 0 : index
        %get3A_266 = arith.index_cast %scan3A_254 : i32 to index
        %get3A_267 = arith.constant 0 : index
        %get3A_268 = vector.load %arg8[%get3A_265, %get3A_266, %get3A_267] : memref<4x640x640xf32, #tpu.memory_space<vmem>>, vector<4x1x640xf32>
        %get3A_269 = vector.shape_cast %get3A_268 : vector<4x1x640xf32> to vector<4x640xf32>
        %gt3A_270 = vector.broadcast %scan3A_254 : i32 to vector<1x640xi32>
        %gt3A_271 = arith.cmpi sgt, %iota3A_132, %gt3A_270 : vector<1x640xi32>
        %convert_element_type3A_272 = arith.extui %gt3A_271 : vector<1x640xi1> to vector<1x640xi32>
        %convert_element_type3A_273 = arith.sitofp %convert_element_type3A_272 : vector<1x640xi32> to vector<1x640xf32>
        %mul3A_274 = vector.broadcast %broadcast_in_dim3A_264 : vector<4x1xf32> to vector<4x640xf32>
        %mul3A_275 = arith.mulf %get3A_269, %mul3A_274 : vector<4x640xf32>
        %mul3A_276 = vector.broadcast %convert_element_type3A_273 : vector<1x640xf32> to vector<4x640xf32>
        %mul3A_277 = arith.mulf %mul3A_275, %mul3A_276 : vector<4x640xf32>
        %sub3A_278 = arith.constant 1.000000e+00 : f32
        %sub3A_279 = vector.broadcast %sub3A_278 : f32 to vector<4x640xf32>
        %sub3A_280 = arith.subf %sub3A_279, %mul3A_277 : vector<4x640xf32>
        %mul3A_281 = arith.mulf %scan3A_255, %sub3A_280 : vector<4x640xf32>
        scf.yield %mul3A_281 : vector<4x640xf32>
      }
      %scan3A_144 = arith.constant 600 : i32
      %iota3A_145 = tpu.iota {dimensions = array<i32: 0>} : vector<640x1xi32>
      %le3A = vector.broadcast %iota3A_145 : vector<640x1xi32> to vector<640x640xi32>
      %le3A_146 = vector.broadcast %iota3A_132 : vector<1x640xi32> to vector<640x640xi32>
      %le3A_147 = arith.cmpi sle, %le3A, %le3A_146 : vector<640x640xi32>
      %convert_element_type3A_148 = arith.extui %le3A_147 : vector<640x640xi1> to vector<640x640xi32>
      %convert_element_type3A_149 = arith.sitofp %convert_element_type3A_148 : vector<640x640xi32> to vector<640x640xf32>
      %dot_general3A_150 = arith.constant dense<0.000000e+00> : vector<4x640xf32>
      %dot_general3A_151 = tpu.matmul %scan3A_143, %convert_element_type3A_149, %dot_general3A_150 {dimension_numbers = #tpu.dot_dimension_numbers<[1], [0], [0], [1], [0, 0, 1, 1], [], []>, transpose_lhs_hint = false} : vector<4x640xf32>, vector<640x640xf32>, vector<4x640xf32> -> vector<4x640xf32>
      %iota3A_152 = tpu.iota {dimensions = array<i32: 0>} : vector<104x1xi32>
      %convert_element_type3A_153 = arith.sitofp %iota3A_152 : vector<104x1xi32> to vector<104x1xf32>
      %slice3A_154 = vector.extract_strided_slice %dot_general3A_151 {offsets = [0, 0], sizes = [1, 640], strides = [1, 1]} : vector<4x640xf32> to vector<1x640xf32>
      %sub3A_155 = arith.constant 1.000000e+00 : f32
      %sub3A_156 = vector.broadcast %sub3A_155 : f32 to vector<1x640xf32>
      %sub3A_157 = arith.subf %slice3A_154, %sub3A_156 : vector<1x640xf32>
      %eq3A_158 = vector.broadcast %convert_element_type3A_153 : vector<104x1xf32> to vector<104x640xf32>
      %eq3A_159 = vector.broadcast %sub3A_157 : vector<1x640xf32> to vector<104x640xf32>
      %eq3A_160 = arith.cmpf oeq, %eq3A_158, %eq3A_159 : vector<104x640xf32>
      %convert_element_type3A_161 = arith.extui %eq3A_160 : vector<104x640xi1> to vector<104x640xi32>
      %convert_element_type3A_162 = arith.sitofp %convert_element_type3A_161 : vector<104x640xi32> to vector<104x640xf32>
      %slice3A_163 = vector.extract_strided_slice %scan3A_143 {offsets = [0, 0], sizes = [1, 640], strides = [1, 1]} : vector<4x640xf32> to vector<1x640xf32>
      %mul3A_164 = vector.broadcast %slice3A_163 : vector<1x640xf32> to vector<104x640xf32>
      %mul3A_165 = arith.mulf %convert_element_type3A_162, %mul3A_164 : vector<104x640xf32>
      %get3A_166 = arith.constant 0 : index
      %get3A_167 = arith.constant 0 : index
      %get3A_168 = arith.constant 0 : index
      %get3A_169 = vector.load %arg9[%get3A_166, %get3A_167, %get3A_168] : memref<4x640x4xf32, #tpu.memory_space<vmem>>, vector<1x640x4xf32>
      %get3A_170 = vector.shape_cast %get3A_169 : vector<1x640x4xf32> to vector<640x4xf32>
      %dot_general3A_171 = arith.constant dense<0.000000e+00> : vector<104x4xf32>
      %dot_general3A_172 = tpu.matmul %mul3A_165, %get3A_170, %dot_general3A_171 {dimension_numbers = #tpu.dot_dimension_numbers<[1], [0], [0], [1], [0, 0, 1, 1], [], []>, transpose_lhs_hint = false} : vector<104x640xf32>, vector<640x4xf32>, vector<104x4xf32> -> vector<104x4xf32>
      %swap3A_173 = arith.constant 0 : index
      %swap3A_174 = arith.constant 0 : index
      %swap3A_175 = arith.constant 0 : index
      %swap3A_176 = vector.load %arg7[%swap3A_173, %swap3A_174, %swap3A_175] : memref<4x104x4xf32, #tpu.memory_space<vmem>>, vector<1x104x4xf32>
      %swap3A_177 = vector.shape_cast %swap3A_176 : vector<1x104x4xf32> to vector<104x4xf32>
      %swap3A_178 = vector.shape_cast %dot_general3A_172 : vector<104x4xf32> to vector<1x104x4xf32>
      tpu.vector_store %arg7[%swap3A_173, %swap3A_174, %swap3A_175], %swap3A_178 {strides = array<i32>} : memref<4x104x4xf32, #tpu.memory_space<vmem>>, vector<1x104x4xf32>,
      %slice3A_179 = vector.extract_strided_slice %dot_general3A_151 {offsets = [1, 0], sizes = [1, 640], strides = [1, 1]} : vector<4x640xf32> to vector<1x640xf32>
      %sub3A_180 = arith.constant 1.000000e+00 : f32
      %sub3A_181 = vector.broadcast %sub3A_180 : f32 to vector<1x640xf32>
      %sub3A_182 = arith.subf %slice3A_179, %sub3A_181 : vector<1x640xf32>
      %eq3A_183 = vector.broadcast %convert_element_type3A_153 : vector<104x1xf32> to vector<104x640xf32>
      %eq3A_184 = vector.broadcast %sub3A_182 : vector<1x640xf32> to vector<104x640xf32>
      %eq3A_185 = arith.cmpf oeq, %eq3A_183, %eq3A_184 : vector<104x640xf32>
      %convert_element_type3A_186 = arith.extui %eq3A_185 : vector<104x640xi1> to vector<104x640xi32>
      %convert_element_type3A_187 = arith.sitofp %convert_element_type3A_186 : vector<104x640xi32> to vector<104x640xf32>
      %slice3A_188 = vector.extract_strided_slice %scan3A_143 {offsets = [1, 0], sizes = [1, 640], strides = [1, 1]} : vector<4x640xf32> to vector<1x640xf32>
      %mul3A_189 = vector.broadcast %slice3A_188 : vector<1x640xf32> to vector<104x640xf32>
      %mul3A_190 = arith.mulf %convert_element_type3A_187, %mul3A_189 : vector<104x640xf32>
      %get3A_191 = arith.constant 1 : index
      %get3A_192 = arith.constant 0 : index
      %get3A_193 = arith.constant 0 : index
      %get3A_194 = vector.load %arg9[%get3A_191, %get3A_192, %get3A_193] : memref<4x640x4xf32, #tpu.memory_space<vmem>>, vector<1x640x4xf32>
      %get3A_195 = vector.shape_cast %get3A_194 : vector<1x640x4xf32> to vector<640x4xf32>
      %dot_general3A_196 = arith.constant dense<0.000000e+00> : vector<104x4xf32>
      %dot_general3A_197 = tpu.matmul %mul3A_190, %get3A_195, %dot_general3A_196 {dimension_numbers = #tpu.dot_dimension_numbers<[1], [0], [0], [1], [0, 0, 1, 1], [], []>, transpose_lhs_hint = false} : vector<104x640xf32>, vector<640x4xf32>, vector<104x4xf32> -> vector<104x4xf32>
      %swap3A_198 = arith.constant 1 : index
      %swap3A_199 = arith.constant 0 : index
      %swap3A_200 = arith.constant 0 : index
      %swap3A_201 = vector.load %arg7[%swap3A_198, %swap3A_199, %swap3A_200] : memref<4x104x4xf32, #tpu.memory_space<vmem>>, vector<1x104x4xf32>
      %swap3A_202 = vector.shape_cast %swap3A_201 : vector<1x104x4xf32> to vector<104x4xf32>
      %swap3A_203 = vector.shape_cast %dot_general3A_197 : vector<104x4xf32> to vector<1x104x4xf32>
      tpu.vector_store %arg7[%swap3A_198, %swap3A_199, %swap3A_200], %swap3A_203 {strides = array<i32>} : memref<4x104x4xf32, #tpu.memory_space<vmem>>, vector<1x104x4xf32>,
      %slice3A_204 = vector.extract_strided_slice %dot_general3A_151 {offsets = [2, 0], sizes = [1, 640], strides = [1, 1]} : vector<4x640xf32> to vector<1x640xf32>
      %sub3A_205 = arith.constant 1.000000e+00 : f32
      %sub3A_206 = vector.broadcast %sub3A_205 : f32 to vector<1x640xf32>
      %sub3A_207 = arith.subf %slice3A_204, %sub3A_206 : vector<1x640xf32>
      %eq3A_208 = vector.broadcast %convert_element_type3A_153 : vector<104x1xf32> to vector<104x640xf32>
      %eq3A_209 = vector.broadcast %sub3A_207 : vector<1x640xf32> to vector<104x640xf32>
      %eq3A_210 = arith.cmpf oeq, %eq3A_208, %eq3A_209 : vector<104x640xf32>
      %convert_element_type3A_211 = arith.extui %eq3A_210 : vector<104x640xi1> to vector<104x640xi32>
      %convert_element_type3A_212 = arith.sitofp %convert_element_type3A_211 : vector<104x640xi32> to vector<104x640xf32>
      %slice3A_213 = vector.extract_strided_slice %scan3A_143 {offsets = [2, 0], sizes = [1, 640], strides = [1, 1]} : vector<4x640xf32> to vector<1x640xf32>
      %mul3A_214 = vector.broadcast %slice3A_213 : vector<1x640xf32> to vector<104x640xf32>
      %mul3A_215 = arith.mulf %convert_element_type3A_212, %mul3A_214 : vector<104x640xf32>
      %get3A_216 = arith.constant 2 : index
      %get3A_217 = arith.constant 0 : index
      %get3A_218 = arith.constant 0 : index
      %get3A_219 = vector.load %arg9[%get3A_216, %get3A_217, %get3A_218] : memref<4x640x4xf32, #tpu.memory_space<vmem>>, vector<1x640x4xf32>
      %get3A_220 = vector.shape_cast %get3A_219 : vector<1x640x4xf32> to vector<640x4xf32>
      %dot_general3A_221 = arith.constant dense<0.000000e+00> : vector<104x4xf32>
      %dot_general3A_222 = tpu.matmul %mul3A_215, %get3A_220, %dot_general3A_221 {dimension_numbers = #tpu.dot_dimension_numbers<[1], [0], [0], [1], [0, 0, 1, 1], [], []>, transpose_lhs_hint = false} : vector<104x640xf32>, vector<640x4xf32>, vector<104x4xf32> -> vector<104x4xf32>
      %swap3A_223 = arith.constant 2 : index
      %swap3A_224 = arith.constant 0 : index
      %swap3A_225 = arith.constant 0 : index
      %swap3A_226 = vector.load %arg7[%swap3A_223, %swap3A_224, %swap3A_225] : memref<4x104x4xf32, #tpu.memory_space<vmem>>, vector<1x104x4xf32>
      %swap3A_227 = vector.shape_cast %swap3A_226 : vector<1x104x4xf32> to vector<104x4xf32>
      %swap3A_228 = vector.shape_cast %dot_general3A_222 : vector<104x4xf32> to vector<1x104x4xf32>
      tpu.vector_store %arg7[%swap3A_223, %swap3A_224, %swap3A_225], %swap3A_228 {strides = array<i32>} : memref<4x104x4xf32, #tpu.memory_space<vmem>>, vector<1x104x4xf32>,
      %slice3A_229 = vector.extract_strided_slice %dot_general3A_151 {offsets = [3, 0], sizes = [1, 640], strides = [1, 1]} : vector<4x640xf32> to vector<1x640xf32>
      %sub3A_230 = arith.constant 1.000000e+00 : f32
      %sub3A_231 = vector.broadcast %sub3A_230 : f32 to vector<1x640xf32>
      %sub3A_232 = arith.subf %slice3A_229, %sub3A_231 : vector<1x640xf32>
      %eq3A_233 = vector.broadcast %convert_element_type3A_153 : vector<104x1xf32> to vector<104x640xf32>
      %eq3A_234 = vector.broadcast %sub3A_232 : vector<1x640xf32> to vector<104x640xf32>
      %eq3A_235 = arith.cmpf oeq, %eq3A_233, %eq3A_234 : vector<104x640xf32>
      %convert_element_type3A_236 = arith.extui %eq3A_235 : vector<104x640xi1> to vector<104x640xi32>
      %convert_element_type3A_237 = arith.sitofp %convert_element_type3A_236 : vector<104x640xi32> to vector<104x640xf32>
      %slice3A_238 = vector.extract_strided_slice %scan3A_143 {offsets = [3, 0], sizes = [1, 640], strides = [1, 1]} : vector<4x640xf32> to vector<1x640xf32>
      %mul3A_239 = vector.broadcast %slice3A_238 : vector<1x640xf32> to vector<104x640xf32>
      %mul3A_240 = arith.mulf %convert_element_type3A_237, %mul3A_239 : vector<104x640xf32>
      %get3A_241 = arith.constant 3 : index
      %get3A_242 = arith.constant 0 : index
      %get3A_243 = arith.constant 0 : index
      %get3A_244 = vector.load %arg9[%get3A_241, %get3A_242, %get3A_243] : memref<4x640x4xf32, #tpu.memory_space<vmem>>, vector<1x640x4xf32>
      %get3A_245 = vector.shape_cast %get3A_244 : vector<1x640x4xf32> to vector<640x4xf32>
      %dot_general3A_246 = arith.constant dense<0.000000e+00> : vector<104x4xf32>
      %dot_general3A_247 = tpu.matmul %mul3A_240, %get3A_245, %dot_general3A_246 {dimension_numbers = #tpu.dot_dimension_numbers<[1], [0], [0], [1], [0, 0, 1, 1], [], []>, transpose_lhs_hint = false} : vector<104x640xf32>, vector<640x4xf32>, vector<104x4xf32> -> vector<104x4xf32>
      %swap3A_248 = arith.constant 3 : index
      %swap3A_249 = arith.constant 0 : index
      %swap3A_250 = arith.constant 0 : index
      %swap3A_251 = vector.load %arg7[%swap3A_248, %swap3A_249, %swap3A_250] : memref<4x104x4xf32, #tpu.memory_space<vmem>>, vector<1x104x4xf32>
      %swap3A_252 = vector.shape_cast %swap3A_251 : vector<1x104x4xf32> to vector<104x4xf32>
      %swap3A_253 = vector.shape_cast %dot_general3A_247 : vector<104x4xf32> to vector<1x104x4xf32>
      tpu.vector_store %arg7[%swap3A_248, %swap3A_249, %swap3A_250], %swap3A_253 {strides = array<i32>} : memref<4x104x4xf32, #tpu.memory_space<vmem>>, vector<1x104x4xf32>,
    } else {
    }
    return
  }
  func.func @transform_0(%arg0: i32) -> (i32, i32, i32) {
    %c0_i32 = arith.constant 0 : i32
    %c0_i32_0 = arith.constant 0 : i32
    %c0_i32_1 = arith.constant 0 : i32
    return %arg0, %c0_i32, %c0_i32_0 : i32, i32, i32
  }
  func.func @transform_1(%arg0: i32) -> (i32, i32, i32) {
    %c0_i32 = arith.constant 0 : i32
    %c0_i32_0 = arith.constant 0 : i32
    %c0_i32_1 = arith.constant 0 : i32
    return %arg0, %c0_i32, %c0_i32_0 : i32, i32, i32
  }
  func.func @transform_2(%arg0: i32) -> (i32, i32, i32) {
    %c0_i32 = arith.constant 0 : i32
    %c0_i32_0 = arith.constant 0 : i32
    %c0_i32_1 = arith.constant 0 : i32
    return %arg0, %c0_i32, %c0_i32_0 : i32, i32, i32
  }
  func.func @transform_3(%arg0: i32) -> (i32, i32, i32) {
    %c0_i32 = arith.constant 0 : i32
    %c0_i32_0 = arith.constant 0 : i32
    %c0_i32_1 = arith.constant 0 : i32
    return %arg0, %c0_i32, %c0_i32_0 : i32, i32, i32
  }
  func.func @transform_4(%arg0: i32) -> (i32, i32, i32) {
    %c0_i32 = arith.constant 0 : i32
    %c0_i32_0 = arith.constant 0 : i32
    %c0_i32_1 = arith.constant 0 : i32
    return %arg0, %c0_i32, %c0_i32_0 : i32, i32, i32
  }
  func.func @transform_5(%arg0: i32) -> (i32, i32, i32) {
    %c0_i32 = arith.constant 0 : i32
    %c0_i32_0 = arith.constant 0 : i32
    %c0_i32_1 = arith.constant 0 : i32
    return %arg0, %c0_i32, %c0_i32_0 : i32, i32, i32
  }
  func.func @transform_6(%arg0: i32) -> (i32, i32, i32) {
    %c0_i32 = arith.constant 0 : i32
    %c0_i32_0 = arith.constant 0 : i32
    %c0_i32_1 = arith.constant 0 : i32
    %c0_i32_2 = arith.constant 0 : i32
    return %c0_i32, %c0_i32_0, %c0_i32_1 : i32, i32, i32
  }
}

</mosaic_0001>

<sc_bundles>
// kernel: kernel.6.cloned.1.call-start
scs
__scs_entry_jumppad:
0x0: {  	(pc) =	sbr.rel $0x88, $3  }
0x1: {  	(tag) =	ssettag $0x0;
	lr =	simm.s32 $0x1  }
0x2: {  	[smem:$0x3F99] =	sst lr;
	_ =	strace $0xD0000000  }
0x3: {  	_ = 	snop  }
0x4: {  	_ = 	snop  }
0x5: {  	_ = 	snop  }
0x6: {  	_ = 	snop  }
0x7: {  	_ = 	snop  }
__scs_overlays_trampoline_lowered:
0x8: {  	[smem:$0x3FA8] =	sst s0  }
0x9: {  	[smem:$0x3FA9] =	sst s1  }
0xa: {  	[smem:$0x3FAA] =	sst s2  }
0xb: {  	[smem:$0x3FAB] =	sst s3  }
0xc: {  	[smem:$0x3FAC] =	sst s4  }
0xd: {  	[smem:$0x3FAD] =	sst s5  }
0xe: {  	[smem:$0x3FAE] =	sst s6  }
0xf: {  	[smem:$0x3FAF] =	sst s7  }
0x10: {  	[smem:$0x3FB0] =	sst s8  }
0x11: {  	[smem:$0x3FB1] =	sst s9;
	s0 =	simm.s32 @!p0 $0x0  }
0x12: {  	s1 =	sld [smem:$0x3F97];
	s0 =	simm.s32 @p0 $0x1  }
0x13: {  	[smem:$0x3FB2] =	sst s0;
	s0 =	simm.s32 @!p1 $0x0  }
0x14: {  	s2 =	sld [smem:$0x3F96];
	s0 =	simm.s32 @p1 $0x1  }
0x15: {  	[smem:$0x3FB3] =	sst s0;
	s0 =	simm.s32 @!p2 $0x0  }
0x16: {  	s3 =	sld [smem:$0x3FDB];
	s0 =	simm.s32 @p2 $0x1  }
0x17: {  	s4 =	simm.s32 $0x1BF5;
	[smem:$0x3FB5] =	sst s0  }
0x18: {  	s0 =	sld [smem:$0x3F98];
	_ =	swait.ge [sflag:s4], $0x0  }
0x19: {  	s7 =	sld [smem:$0x3F99]  }
0x1a: {  	s8 =	sadd.s32 $0xFFFFE003, lr  }
0x1b: {  	s9 =	sadd.s32 $0xFFFFFEF7, lr;
	s5 =	simm.s32 $0xFFFFFFFF;
	p2 =	slt.u32 s8, $0xFFFFF086  }
0x1c: {  	p1 =	slt.u32 s9, $0xF7A;
	s5 =	simm.s32 @!p2 $0x0  }
0x1d: {  	s5 =	simm.s32 @p1 $0x1;
	p0 =	seq.s32 s7, s2  }
0x1e: {  	s7 =	smul.u32 @!p0 $0xF7A, s2;
	p2 =	seq.s32 @!p0 s5, $0x0  }
0x1f: {  	s9 =	smul.u32 $0xF7A, s1;
	s8 =	simm.s32 @!p0 $0x1BF5;
	p2 =	por !p2, p0  }
0x20: {  	[sflag:s8] =	ssyncset.s32 @!p0 $0xFFFFF086;
	s6 =	sadd.s32 @!p0 s3, s7;
	s7 =	simm.s32 @!p0 $0x108  }
0x21: {  	s3 =	sadd.s32 s3, s9;
	s6 =	sadd.s32 @!p0 $0x88, s6;
	s7 =	simm.s32 @p2 $0x1082  }
0x22: {  	[simem:s7], [sflag:s8] =	dma.local @!p0 [hbm:s6], $0xF7A  }
0x23: {  	s9 =	sor.u32 $0xD0000000, s2;
	s6 =	simm.s32 $0x108;
	_ =	swait.ge @!p0 [sflag:s8], $0x0  }
0x24: {  	s3 =	sadd.s32 $0x88, s3;
	s6 =	simm.s32 @!p1 $0x1082;
	[sflag:s4] =	ssyncset.s32 $0xFFFFF086  }
0x25: {  	[simem:s6], [sflag:s4] =	dma.local [hbm:s3], $0xF7A  }
0x26: {  	[smem:$0x3F99] =	sst s1;
	(tag) =	ssettag s2;
	_ =	strace s9  }
0x27: {  	s1 =	sld [smem:$0x3FA9]  }
0x28: {  	s2 =	sld [smem:$0x3FAA]  }
0x29: {  	s4 =	sld [smem:$0x3FAC]  }
0x2a: {  	p0 =	seq.s32 s5, $0x0;
	s5 =	sld [smem:$0x3FAD]  }
0x2b: {  	s6 =	sld [smem:$0x3FAE]  }
0x2c: {  	s7 =	sld [smem:$0x3FAF]  }
0x2d: {  	s3 =	simm.s32 $0x108;
	s8 =	sld [smem:$0x3FB0]  }
0x2e: {  	s3 =	simm.s32 @!p0 $0x1082;
	s9 =	sld [smem:$0x3FB1]  }
0x2f: {  	lr =	sadd.s32 s0, s3;
	s0 =	sld [smem:$0x3FA8]  }
0x30: {  	s3 =	sld [smem:$0x3FAB]  }
0x31: {  	[smem:$0x3FB4] =	sst s10  }
0x32: {  	s10 =	sld [smem:$0x3FB2];
	_ =	sdelay $0x3  }
0x33: {  	p0 =	seq.s32 s10, $0x1;
	s10 =	sld [smem:$0x3FB4];
	_ =	sdelay $0x3  }
0x34: {  	[smem:$0x3FB4] =	sst s10  }
0x35: {  	s10 =	sld [smem:$0x3FB3];
	_ =	sdelay $0x3  }
0x36: {  	p1 =	seq.s32 s10, $0x1;
	s10 =	sld [smem:$0x3FB4];
	_ =	sdelay $0x3  }
0x37: {  	[smem:$0x3FB4] =	sst s10  }
0x38: {  	s10 =	sld [smem:$0x3FB5]  }
0x39: {  	_ = 	snop;
	(pc) =	sbr.ind lr, $3  }
0x3a: {  	_ = 	snop  }
0x3b: {  	_ = 	snop  }
0x3c: {  	p2 =	seq.s32 s10, $0x1;
	s10 =	sld [smem:$0x3FB4]  }
0x3d: {  	_ =	shalt  }
0x3e: {  	_ =	shalt  }
0x3f: {  	_ =	shalt  }
0x40: {  	_ =	shalt  }
0x41: {  	_ =	shalt  }
0x42: {  	_ =	shalt  }
0x43: {  	_ =	shalt  }
0x44: {  	_ =	shalt  }
0x45: {  	_ =	shalt  }
0x46: {  	_ =	shalt  }
0x47: {  	_ =	shalt  }
0x48: {  	_ =	shalt  }
0x49: {  	_ =	shalt  }
0x4a: {  	_ =	shalt  }
0x4b: {  	_ =	shalt  }
0x4c: {  	_ =	shalt  }
0x4d: {  	_ =	shalt  }
0x4e: {  	_ =	shalt  }
0x4f: {  	_ =	shalt  }
0x50: {  	_ =	shalt  }
0x51: {  	_ =	shalt  }
0x52: {  	_ =	shalt  }
0x53: {  	_ =	shalt  }
0x54: {  	_ =	shalt  }
0x55: {  	_ =	shalt  }
0x56: {  	_ =	shalt  }
0x57: {  	_ =	shalt  }
0x58: {  	_ =	shalt  }
0x59: {  	_ =	shalt  }
0x5a: {  	_ =	shalt  }
0x5b: {  	_ =	shalt  }
0x5c: {  	_ =	shalt  }
0x5d: {  	_ =	shalt  }
0x5e: {  	_ =	shalt  }
0x5f: {  	_ =	shalt  }
0x60: {  	_ =	shalt  }
0x61: {  	_ =	shalt  }
0x62: {  	_ =	shalt  }
0x63: {  	_ =	shalt  }
0x64: {  	_ =	shalt  }
0x65: {  	_ =	shalt  }
0x66: {  	_ =	shalt  }
0x67: {  	_ =	shalt  }
0x68: {  	_ =	shalt  }
0x69: {  	_ =	shalt  }
0x6a: {  	_ =	shalt  }
0x6b: {  	_ =	shalt  }
0x6c: {  	_ =	shalt  }
0x6d: {  	_ =	shalt  }
0x6e: {  	_ =	shalt  }
0x6f: {  	_ =	shalt  }
0x70: {  	_ =	shalt  }
0x71: {  	_ =	shalt  }
0x72: {  	_ =	shalt  }
0x73: {  	_ =	shalt  }
0x74: {  	_ =	shalt  }
0x75: {  	_ =	shalt  }
0x76: {  	_ =	shalt  }
0x77: {  	_ =	shalt  }
0x78: {  	_ =	shalt  }
0x79: {  	_ =	shalt  }
0x7a: {  	_ =	shalt  }
0x7b: {  	_ =	shalt  }
0x7c: {  	_ =	shalt  }
0x7d: {  	_ =	shalt  }
0x7e: {  	_ =	shalt  }
0x7f: {  	_ =	shalt  }
0x80: {  	_ =	shalt  }
0x81: {  	_ =	shalt  }
0x82: {  	_ =	shalt  }
0x83: {  	_ =	shalt  }
0x84: {  	_ =	shalt  }
0x85: {  	_ =	shalt  }
0x86: {  	_ =	shalt  }
0x87: {  	_ =	shalt  }
.Lfunc_end0:
.L_simem_size_0:
called_computation_lowered:
.L_overlay_start_0:
0x88: {  	s2 =	sld [smem:$0x3FD9]  }
0x89: {  	s3 =	sld [smem:$0x3FFE];
	_ =	sdelay $0x1  }
0x8a: {  	s1 =	srdreg.scid  }
0x8b: {  	s0 =	sand.u32 $0x1, s1  }
0x8c: {  	s17 =	sshll.u32 s0, $0xA;
	s2 =	sadd.s32 s3, s2  }
0x8d: {  	s2 =	sadd.s32 s2, s17  }
0x8e: {  	[smem:$0x3FC0] =	sst s2  }
0x8f: {  	_ = 	snop  }
0x90: {  	s2 =	sld [smem:$0x3FD0];
	(tm) =	ssettm $0x1  }
0x91: {  	s18 =	sld [smem:$0x3FFB];
	_ =	sdelay $0x3  }
0x92: {  	_ =	strace s18  }
0x93: {  	s3 =	sld [smem:$0x3FFC];
	_ =	sdelay $0x3  }
0x94: {  	_ =	strace s3  }
0x95: {  	s3 =	sld [smem:$0x3FFD];
	_ =	sdelay $0x3  }
0x96: {  	_ =	strace s3  }
0x97: {  	_ =	strace $0x8FFFFFFF  }
0x98: {  	s19 =	sld [smem:$0x3FDB];
	_ =	sdelay $0x1  }
0x99: {  	s4 =	simm.s32 $_scs_section_size  }
0x9a: {  	s5 =	simm.s32 $_size__tile_overlayer_lowered;
	s6 =	simm.s32 $_tile_overlayer_lowered  }
0x9b: {  	s22 =	simm.s32 $0x1BFF;
	s21 =	sshll.u32 s6, $0x1;
	s3 =	sadd.s32 s4, s19  }
0x9c: {  	s7 =	simm.s32 $0x0;
	s20 =	sshll.u32 s5, $0x1;
	s5 =	sadd.s32 s21, s3  }
0x9d: {  	[timem:s7], [sflag:s22] =	dma.local [hbm:s5], s20  }
0x9e: {  	_ =	swait.ge [sflag:s22], s20  }
0x9f: {  	s4 =	ssub.s32 $0x0, s20;
	[sflag:s22] =	ssyncset.done $0x0  }
0xa0: {  	[sflag:s22] =	ssyncadd.s32 s4;
	_ =	sdelay $0x1  }
0xa1: {  	s23 =	simm.s32 $0x1B8B  }
0xa2: {  	_ =	swait.ge [sflag:s23], $0x1  }
0xa3: {  	[sflag:s23] =	ssyncset.done $0x0  }
0xa4: {  	s25 =	simm.s32 $0x1B8E;
	s24 =	sld [smem:$0x3FFE];
	[sflag:s23] =	ssyncadd.s32 $0xFFFFFFFF  }
0xa5: {  	s26 =	simm.s32 $execute0_lowered;
	[smem:$0x3FD2] =	sst s25  }
0xa6: {  	s5 =	sshll.u32 s26, $0x1;
	_ =	strace $0x80000046;
	[dreg:$0x1] =	wrdreg $0xFFFFFFFF  }
0xa7: {  	s28 =	simm.s32 $_size_execute0_lowered;
	s3 =	sadd.s32 s3, s5;
	[dreg:$0x0] =	wrdreg $0x0  }
0xa8: {  	s5 =	sshll.u32 s28, $0x1;
	[dreg:$0x2] =	wrdreg s3  }
0xa9: {  	[dreg:$0x3] =	wrdreg s5  }
0xaa: {  	[dreg:$0x4] =	wrdreg $0xC0  }
0xab: {  	_ =	task [dreg:s7], $0x5FFFF  }
0xac: {  	[dreg:$0x1] =	wrdreg $0xFFFFFFFF  }
0xad: {  	[dreg:$0x0] =	wrdreg $0x60  }
0xae: {  	[dreg:$0x2] =	wrdreg s24  }
0xaf: {  	[dreg:$0x3] =	wrdreg s2  }
0xb0: {  	[dreg:$0x4] =	wrdreg $0x9  }
0xb1: {  	_ =	task.clear_ibuf [dreg:s7], $0x5FFFF;
	_ =	strace $0x90000046  }
0xb2: {  	s29 =	simm.s32 $0x9;
	_ =	strace $0x80000048  }
0xb3: {  	_ =	swait.ge [sflag:s29], $0x1  }
0xb4: {  	[sflag:s29] =	ssyncadd.s32 $0xFFFFFFFF  }
0xb5: {  	_ =	strace $0x90000048  }
0xb6: {  	_ =	sfence  }
0xb7: {  	s30 =	sld [smem:$0x0];
	_ =	sdelay $0x2  }
0xb8: {  	s31 =	sshll.u32 s1, $0xD;
	s1 =	sshrl.u32 s1, $0x2  }
0xb9: {  	s3 =	sand.u32 $0x4000, s31;
	s1 =	sadd.s32 s1, s30  }
0xba: {  	s0 =	sor.u32 s3, s0;
	s1 =	sshll.u32 s1, $0x11  }
0xbb: {  	s0 =	sor.u32 s1, s0  }
0xbc: {  	s0 =	sadd.s32 $0x8F2B, s0  }
0xbd: {  	[sflag:s0] =	ssyncadd.remote.s32 $0x1  }
0xbe: {  	_ =	sfence.sel $0xFFFF  }
0xbf: {  	[dreg:$0x0] =	wrdreg $0xFFFFFFFF;
	(pc) =	sbr.abs _section_cstart, $3  }
0xc0: {  	[dreg:$0x1] =	wrdreg $0xFFFFFFFF  }
0xc1: {  	_ =	task.clear_ibuf [dreg:s7], $0x2FFFF;
	_ =	strace $0x9FFFFFFF  }
0xc2: {  	(tm) =	ssettm $0x7FFFFFFF  }
0xc3: {  	_ =	shalt  }
tec
execute0_lowered:
.L_overlay_start_1:
0x0: {  	(tag) =	ssettag $0x1  }
0x1: {  	s3 =	stileid.u32  }
0x2: {  	p0 =	sgt.u32 s3, $0x1  }
.Ltmp0:
0x3: {  	_ = 	snop;
	(pc) =	sbr.rel @p0 .LBB2_11-.Ltmp0, $4  }
0x4: {  	_ = 	snop  }
0x5: {  	s1 =	rddreg [dreg:$0x0];
	s2 =	simm.s32 $0x0  }
0x6: {  	[smem:$0x7FF] =	sst s2  }
0x7: {  	s0 =	rddreg [dreg:$0x1];
	_ =	strace $0x80000047  }
0x8: {  	s3 =	srdreg.scid  }
0x9: {  	s4 =	stileid.u32;
	s3 =	sand.u32 $0x1, s3  }
0xa: {  	s13 =	sadd.s32 $0x600, s1;
	s4 =	sshll.u32 s4, $0x5;
	s5 =	sshll.u32 s3, $0x4  }
0xb: {  	s9 =	simm.s32 $0x80;
	s28 =	simm.s32 $0xE780;
	s4 =	sor.u32 s5, s4  }
0xc: {  	s29 =	simm.s32 $0xEA00;
	s30 =	simm.s32 $0xEC80;
	s0 =	sadd.s32 s0, s4  }
0xd: {  	s14 =	sadd.s32 s4, s1;
	s26 =	sadd.s32 s13, s4;
	[dreg:$0x8] =	wrdreg s0  }
0xe: {  	s31 =	simm.s32 $0xEF00;
	s6 =	sadd.s32 $0x6000, s14;
	[dreg:$0xf] =	wrdreg s26  }
0xf: {  	s7 =	simm.s32 $0x10300;
	s15 =	sadd.s32 $0x1800, s14;
	[dreg:$0x3] =	wrdreg s6  }
0x10: {  	s21 =	ssub.s32 $0x2, s3;
	s16 =	sadd.s32 $0x2A00, s14;
	[dreg:$0x4] =	wrdreg s15  }
0x11: {  	s3 =	simm.s32 $0xF900;
	s17 =	sadd.s32 $0x3C00, s14;
	[dreg:$0x5] =	wrdreg s16  }
0x12: {  	s24 =	sshrl.u32 s21, $0x1;
	s18 =	sadd.s32 $0x4E00, s14;
	[dreg:$0x6] =	wrdreg s17  }
0x13: {  	s5 =	simm.s32 $0xFE00;
	s19 =	sadd.s32 $0x7C00, s14;
	[dreg:$0x7] =	wrdreg s18  }
0x14: {  	s4 =	simm.s32 $0xFB80;
	s20 =	sadd.s32 $0x7A00, s14;
	[dreg:$0x9] =	wrdreg s19  }
0x15: {  	s22 =	sadd.s32 $0x7200, s14;
	s23 =	sadd.s32 $0x7400, s14;
	[dreg:$0xa] =	wrdreg s20  }
0x16: {  	s25 =	sadd.s32 $0x7600, s14;
	s1 =	sadd.s32 $0x7800, s14;
	[dreg:$0xb] =	wrdreg s22  }
0x17: {  	s0 =	ssub.s32 s21, s24;
	s21 =	simm.s32 $0xD880;
	[dreg:$0xc] =	wrdreg s23  }
0x18: {  	s24 =	simm.s32 $0xE000;
	s26 =	simm.s32 $0xE500;
	[dreg:$0xd] =	wrdreg s25  }
0x19: {  	[dreg:$0xe] =	wrdreg s1;
	s0 =	smax.u32 s0, $0x1;
	s16 =	simm.s32 $0x200  }
0x1a: {  	s19 =	simm.s32 $0x1;
	s22 =	simm.s32 $0xDB00;
	s23 =	simm.s32 $0xDD80  }
0x1b: {  	v0 =	vimm.s32 $0x0;
	v1 =	vlaneseq.u32;
	s25 =	simm.s32 $0xE280;
	s1 =	simm.s32 $0xF400;
	s20 =	simm.s32 $0xF680  }
0x1c: {  	v2 =	vimm.f32 $-Inf;
	v4 =	vimm.f32 $0.0e+00;
	v3 =	vor.u32 $0x400000, v1;
	s6 =	simm.s32 $0x10080;
	[dreg:$0x10] =	wrdreg s0;
	s0 =	simm.s32 $0xF180  }
.LBB2_2:
0x1d: {  	s10 =	simm.s32 $0x0;
	s8 =	rddreg [dreg:$0xf]  }
0x1e: {  	[tilespmem:s10], [sflag:$0x1] =	stream.strided.gather [hbm4b:s8+s9], $0x2400, s16, s9, $0x38;
	[tilespmem:$0x10580] =	vst v63  }
0x1f: {  	_ =	swait.ge [sflag:s19], $0x2400  }
0x20: {  	[sflag:s19] =	ssyncset.done $0x0  }
0x21: {  	s11 =	simm.s32 $0x2400;
	s13 =	rddreg [dreg:$0x3];
	[sflag:s19] =	ssyncadd.s32 $0xFFFFDC00  }
0x22: {  	[tilespmem:s11], [sflag:$0x1] =	stream.strided.gather [hbm4b:s13+s9], $0x2400, s16, s9, $0x38;
	[tilespmem:$0x10580] =	vst v63  }
0x23: {  	_ =	swait.ge [sflag:s19], $0x2400  }
0x24: {  	[sflag:s19] =	ssyncset.done $0x0  }
0x25: {  	s12 =	simm.s32 $0x4800;
	s14 =	rddreg [dreg:$0x4];
	[sflag:s19] =	ssyncadd.s32 $0xFFFFDC00  }
0x26: {  	[tilespmem:s12], [sflag:$0x1] =	stream.strided.gather [hbm4b:s14+s9], $0x2400, s16, s9, $0x38;
	[tilespmem:$0x10580] =	vst v63  }
0x27: {  	_ =	swait.ge [sflag:s19], $0x2400  }
0x28: {  	[sflag:s19] =	ssyncset.done $0x0  }
0x29: {  	s13 =	simm.s32 $0x6C00;
	s15 =	rddreg [dreg:$0x5];
	[sflag:s19] =	ssyncadd.s32 $0xFFFFDC00  }
0x2a: {  	[tilespmem:s13], [sflag:$0x1] =	stream.strided.gather [hbm4b:s15+s9], $0x2400, s16, s9, $0x38;
	[tilespmem:$0x10580] =	vst v63  }
0x2b: {  	_ =	swait.ge [sflag:s19], $0x2400  }
0x2c: {  	[sflag:s19] =	ssyncset.done $0x0  }
0x2d: {  	s14 =	simm.s32 $0x9000;
	s17 =	rddreg [dreg:$0x6];
	[sflag:s19] =	ssyncadd.s32 $0xFFFFDC00  }
0x2e: {  	[tilespmem:s14], [sflag:$0x1] =	stream.strided.gather [hbm4b:s17+s9], $0x2400, s16, s9, $0x38;
	[tilespmem:$0x10580] =	vst v63  }
0x2f: {  	_ =	swait.ge [sflag:s19], $0x2400  }
0x30: {  	[sflag:s19] =	ssyncset.done $0x0  }
0x31: {  	s15 =	simm.s32 $0xB400;
	s18 =	rddreg [dreg:$0x7];
	[sflag:s19] =	ssyncadd.s32 $0xFFFFDC00  }
0x32: {  	[tilespmem:s15], [sflag:$0x1] =	stream.strided.gather [hbm4b:s18+s9], $0x2400, s16, s9, $0x38;
	[tilespmem:$0x10580] =	vst v63  }
0x33: {  	_ =	swait.ge [sflag:s19], $0x2400  }
0x34: {  	[sflag:s19] =	ssyncset.done $0x0  }
0x35: {  	s18 =	simm.s32 $0xD800;
	s17 =	rddreg [dreg:$0x8];
	[sflag:s19] =	ssyncadd.s32 $0xFFFFDC00  }
0x36: {  	[tilespmem:s18], [sflag:$0x1] =	stream.linear.gather [hbm4b:s17+s10], $0x80, $0x38;
	[tilespmem:$0x10580] =	vst v63  }
0x37: {  	_ =	swait.ge [sflag:s19], $0x80  }
0x38: {  	[sflag:s19] =	ssyncset.done $0x0  }
0x39: {  	s8 =	simm.s32 $0x0;
	[sflag:s19] =	ssyncadd.s32 $0xFFFFFF80  }
0x3a: {  	s16 =	simm.s32 $0x0;
	s9 =	simm.s32 $0x0;
	s17 =	simm.s32 $0x0;
	v5 =	vld [tilespmem:$0xD800]  }
.LBB2_3:
0x3b: {  	v6 =	vld [tilespmem:s11+$0x0];
	_ =	sdelay $0x4  }
0x3c: {  	vm0 =	vgt.s32 v6, v5  }
0x3d: {  	v7 =	vsel vm0, $0x1, v0  }
0x3e: {  	(xrf0) =	vadd.scan.msk.s32 $0xffff, v7;
	_ =	sdelay $0x5  }
0x3f: {  	v8, _, _ =	vpop (xrf0)  }
0x40: {  	v7 =	vsub.s32 v8, v7  }
0x41: {  	v7 =	vadd.s32 s9, v7  }
0x42: {  	vm1 =	vlt.s32 v7, $0x280  }
0x43: {  	vm0 =	vmand vm0, vm1  }
0x44: {  	v9 =	vld [tilespmem:s16+$0x0];
	_ =	sdelay $0x4  }
0x45: {  	v10 =	vor.u32 s17, v1;
	[tilespmem:v7+s21+$0x0] =	vst.idx.msk vm0, v9  }
0x46: {  	[tilespmem:v7+s22+$0x0] =	vst.idx.msk vm0, v10  }
0x47: {  	v11 =	vld [tilespmem:s12+$0x0];
	_ =	sdelay $0x4  }
0x48: {  	[tilespmem:v7+s23+$0x0] =	vst.idx.msk vm0, v11  }
0x49: {  	vm15 =	veq.s32 v6, v5;
	v6 =	vld [tilespmem:s13+$0x0]  }
0x4a: {  	v63 =	vsel vm15, $0x1, v0  }
0x4b: {  	(xrf0) =	vadd.scan.msk.s32 $0xffff, v63;
	_ =	sdelay $0x2  }
0x4c: {  	[tilespmem:v7+s24+$0x0] =	vst.idx.msk vm0, v6  }
0x4d: {  	v6 =	vld [tilespmem:s14+$0x0];
	_ =	sdelay $0x1  }
0x4e: {  	v12, _, _ =	vpop (xrf0)  }
0x4f: {  	v11 =	vsub.s32 v12, v63  }
0x50: {  	v11 =	vadd.s32 s8, v11  }
0x51: {  	vm2 =	vlt.s32 v11, $0x280;
	[tilespmem:v7+s25+$0x0] =	vst.idx.msk vm0, v6  }
0x52: {  	vm1 =	vmand vm15, vm2;
	v6 =	vld [tilespmem:s15+$0x0];
	_ =	sdelay $0x4  }
0x53: {  	[tilespmem:v7+s26+$0x0] =	vst.idx.msk vm0, v6  }
0x54: {  	[tilespmem:v11+s28+$0x0] =	vst.idx.msk vm1, v9  }
0x55: {  	[tilespmem:v11+s29+$0x0] =	vst.idx.msk vm1, v10  }
0x56: {  	v6 =	vld [tilespmem:s12+$0x0];
	_ =	sdelay $0x4  }
0x57: {  	(v2sf) =	vpush v8, $0xF;
	[tilespmem:v11+s30+$0x0] =	vst.idx.msk vm1, v6  }
0x58: {  	(v2sf) =	vpush v12, $0xF;
	v6 =	vld [tilespmem:s13+$0x0];
	_ =	sdelay $0x4  }
0x59: {  	[tilespmem:v11+s31+$0x0] =	vst.idx.msk vm1, v6  }
0x5a: {  	v6 =	vld [tilespmem:s14+$0x0];
	_ =	sdelay $0x4  }
0x5b: {  	[tilespmem:v11+s0+$0x0] =	vst.idx.msk vm1, v6  }
0x5c: {  	p0 =	seq.s32 s17, $0x23F0;
	v6 =	vld [tilespmem:s15+$0x0]  }
.Ltmp1:
0x5d: {  	_ = 	snop;
	(pc) =	sbr.rel @!p0 .LBB2_3-.Ltmp1, $4  }
0x5e: {  	s16 =	sadd.s32 $0x10, s16;
	s18 =	spop (v2sf)  }
0x5f: {  	s11 =	sadd.s32 $0x10, s11;
	s9 =	sadd.s32 s9, s18;
	s18 =	spop (v2sf)  }
0x60: {  	s17 =	sadd.s32 $0x10, s17;
	s8 =	sadd.s32 s8, s18;
	s12 =	sadd.s32 $0x10, s12  }
0x61: {  	s13 =	sadd.s32 $0x10, s13;
	s14 =	sadd.s32 $0x10, s14;
	s15 =	sadd.s32 $0x10, s15;
	[tilespmem:v11+s1+$0x0] =	vst.idx.msk vm1, v6  }
0x62: {  	s11 =	simm.s32 $0xF680  }
0x63: {  	s12 =	simm.s32 $0xF900;
	v5 =	vor.u32 s10, v3;
	[tilespmem:s11+$0x0] =	vst v2  }
0x64: {  	s13 =	simm.s32 $0xFB80;
	[tilespmem:s12+$0x0] =	vst v5  }
0x65: {  	s16 =	simm.s32 $0xFE00;
	[tilespmem:s13+$0x0] =	vst v4  }
0x66: {  	s15 =	simm.s32 $0x10080;
	s14 =	simm.s32 $0x10300;
	s10 =	simm.s32 $0x10;
	[tilespmem:s16+$0x0] =	vst v4  }
0x67: {  	s17 =	simm.s32 $0x10310;
	s16 =	simm.s32 $0x10090;
	[tilespmem:s15+$0x0] =	vst v4;
	s15 =	simm.s32 $0xFE10  }
.LBB2_5:
0x68: {  	s11 =	sadd.s32 $0x10, s11  }
0x69: {  	[tilespmem:s14+$0x0] =	vst v4;
	s12 =	sadd.s32 $0x10, s12;
	s13 =	sadd.s32 $0x10, s13;
	p0 =	seq.s32 s10, $0x270  }
.Ltmp2:
0x6a: {  	v5 =	vor.u32 s10, v3;
	s10 =	sadd.s32 $0x10, s10;
	[tilespmem:s11+$0x0] =	vst v2;
	(pc) =	sbr.rel @!p0 .LBB2_5-.Ltmp2, $4  }
0x6b: {  	s14 =	smov.u32 s17;
	[tilespmem:s12+$0x0] =	vst v5  }
0x6c: {  	[tilespmem:s13+$0x0] =	vst v4  }
0x6d: {  	[tilespmem:s15+$0x0] =	vst v4  }
0x6e: {  	s17 =	sadd.s32 $0x10, s17;
	s15 =	sadd.s32 $0x10, s15;
	[tilespmem:s16+$0x0] =	vst v4;
	s16 =	sadd.s32 $0x10, s16  }
0x6f: {  	s16 =	simm.s32 $0x0  }
0x70: {  	v5 =	vmov s9;
	v6 =	vor.u32 s16, v1  }
0x71: {  	[tilespmem:s14+$0x0] =	vst v4;
	s15 =	simm.s32 $0xD880;
	vm0 =	vlt.s32 v6, v5  }
0x72: {  	v7 =	vld [tilespmem:s15+$0x0];
	_ =	sdelay $0x4  }
0x73: {  	s14 =	simm.s32 $0xDB00;
	[tilespmem:v6+s20+$0x0] =	vst.idx.msk vm0, v7  }
0x74: {  	v7 =	vld [tilespmem:s14+$0x0];
	_ =	sdelay $0x4  }
0x75: {  	s13 =	simm.s32 $0xDD80;
	[tilespmem:v6+s3+$0x0] =	vst.idx.msk vm0, v7  }
0x76: {  	v7 =	vld [tilespmem:s13+$0x0];
	_ =	sdelay $0x4  }
0x77: {  	s12 =	simm.s32 $0xE000;
	[tilespmem:v6+s4+$0x0] =	vst.idx.msk vm0, v7  }
0x78: {  	v7 =	vld [tilespmem:s12+$0x0];
	_ =	sdelay $0x4  }
0x79: {  	s11 =	simm.s32 $0xE280;
	[tilespmem:v6+s5+$0x0] =	vst.idx.msk vm0, v7  }
0x7a: {  	v7 =	vld [tilespmem:s11+$0x0];
	_ =	sdelay $0x4  }
0x7b: {  	s10 =	simm.s32 $0xE500;
	[tilespmem:v6+s6+$0x0] =	vst.idx.msk vm0, v7  }
0x7c: {  	v8 =	vld [tilespmem:s10+$0x0];
	_ =	sdelay $0x2  }
0x7d: {  	s18 =	simm.s32 $0x10  }
0x7e: {  	s16 =	simm.s32 $0x20;
	v7 =	vor.u32 s18, v1  }
.LBB2_7:
0x7f: {  	p0 =	sne.s32 s16, $0x270;
	[tilespmem:v6+s7+$0x0] =	vst.idx.msk vm0, v8;
	vm0 =	vlt.s32 v7, v5;
	s15 =	sadd.s32 $0x10, s15;
	v6 =	vmov v7  }
0x80: {  	v7 =	vld [tilespmem:s15+$0x0];
	_ =	sdelay $0x4  }
0x81: {  	s14 =	sadd.s32 $0x10, s14;
	[tilespmem:v6+s20+$0x0] =	vst.idx.msk vm0, v7  }
0x82: {  	v7 =	vld [tilespmem:s14+$0x0];
	_ =	sdelay $0x4  }
0x83: {  	s13 =	sadd.s32 $0x10, s13;
	[tilespmem:v6+s3+$0x0] =	vst.idx.msk vm0, v7  }
0x84: {  	v7 =	vld [tilespmem:s13+$0x0];
	_ =	sdelay $0x4  }
0x85: {  	s12 =	sadd.s32 $0x10, s12;
	[tilespmem:v6+s4+$0x0] =	vst.idx.msk vm0, v7  }
0x86: {  	v7 =	vld [tilespmem:s12+$0x0];
	_ =	sdelay $0x4  }
0x87: {  	s11 =	sadd.s32 $0x10, s11;
	[tilespmem:v6+s5+$0x0] =	vst.idx.msk vm0, v7  }
0x88: {  	v7 =	vld [tilespmem:s11+$0x0];
	_ =	sdelay $0x4  }
0x89: {  	s10 =	sadd.s32 $0x10, s10;
	[tilespmem:v6+s6+$0x0] =	vst.idx.msk vm0, v7  }
.Ltmp3:
0x8a: {  	v8 =	vld [tilespmem:s10+$0x0];
	(pc) =	sbr.rel @p0 .LBB2_7-.Ltmp3, $2  }
0x8b: {  	_ =	sdelay $0x2  }
0x8c: {  	v7 =	vor.u32 s16, v1;
	s16 =	sadd.s32 $0x10, s16  }
0x8d: {  	_ =	sdelay $0x4  }
0x8e: {  	vm1 =	vlt.s32 v7, v5;
	[tilespmem:v6+s7+$0x0] =	vst.idx.msk vm0, v8;
	s15 =	sadd.s32 $0x10, s15  }
0x8f: {  	v6 =	vld [tilespmem:s15+$0x0];
	_ =	sdelay $0x4  }
0x90: {  	s14 =	sadd.s32 $0x10, s14;
	[tilespmem:v7+s20+$0x0] =	vst.idx.msk vm1, v6  }
0x91: {  	v6 =	vld [tilespmem:s14+$0x0];
	_ =	sdelay $0x4  }
0x92: {  	s13 =	sadd.s32 $0x10, s13;
	[tilespmem:v7+s3+$0x0] =	vst.idx.msk vm1, v6  }
0x93: {  	v6 =	vld [tilespmem:s13+$0x0];
	_ =	sdelay $0x4  }
0x94: {  	s12 =	sadd.s32 $0x10, s12;
	[tilespmem:v7+s4+$0x0] =	vst.idx.msk vm1, v6  }
0x95: {  	v6 =	vld [tilespmem:s12+$0x0];
	_ =	sdelay $0x4  }
0x96: {  	s11 =	sadd.s32 $0x10, s11;
	[tilespmem:v7+s5+$0x0] =	vst.idx.msk vm1, v6  }
0x97: {  	v6 =	vld [tilespmem:s11+$0x0];
	_ =	sdelay $0x4  }
0x98: {  	s10 =	sadd.s32 $0x10, s10;
	[tilespmem:v7+s6+$0x0] =	vst.idx.msk vm1, v6  }
0x99: {  	v8 =	vld [tilespmem:s10+$0x0]  }
0x9a: {  	s9 =	ssub.s32 $0x258, s9  }
0x9b: {  	p0 =	slt.s32 s8, s9  }
0x9c: {  	s17 =	simm.s32 $0x0;
	s9 =	smov.u32 @p0 s8  }
0x9d: {  	v9 =	vor.u32 s17, v1;
	v6 =	vmov s9  }
0x9e: {  	s8 =	simm.s32 $0xE780;
	vm0 =	vlt.s32 v9, v6;
	[tilespmem:v7+s7+$0x0] =	vst.idx.msk vm1, v8  }
0x9f: {  	v7 =	vadd.s32 v5, v9;
	v8 =	vld [tilespmem:s8+$0x0];
	_ =	sdelay $0x4  }
0xa0: {  	s9 =	simm.s32 $0xEA00;
	[tilespmem:v7+s20+$0x0] =	vst.idx.msk vm0, v8  }
0xa1: {  	v8 =	vld [tilespmem:s9+$0x0];
	_ =	sdelay $0x4  }
0xa2: {  	s10 =	simm.s32 $0xEC80;
	[tilespmem:v7+s3+$0x0] =	vst.idx.msk vm0, v8  }
0xa3: {  	v8 =	vld [tilespmem:s10+$0x0];
	_ =	sdelay $0x4  }
0xa4: {  	s11 =	simm.s32 $0xEF00;
	[tilespmem:v7+s4+$0x0] =	vst.idx.msk vm0, v8  }
0xa5: {  	v8 =	vld [tilespmem:s11+$0x0];
	_ =	sdelay $0x4  }
0xa6: {  	s12 =	simm.s32 $0xF180;
	[tilespmem:v7+s5+$0x0] =	vst.idx.msk vm0, v8  }
0xa7: {  	v8 =	vld [tilespmem:s12+$0x0];
	_ =	sdelay $0x4  }
0xa8: {  	s13 =	simm.s32 $0xF400;
	[tilespmem:v7+s6+$0x0] =	vst.idx.msk vm0, v8  }
0xa9: {  	v9 =	vld [tilespmem:s13+$0x0];
	_ =	sdelay $0x2  }
0xaa: {  	s18 =	simm.s32 $0x10  }
0xab: {  	s14 =	simm.s32 $0x20;
	v8 =	vor.u32 s18, v1  }
.LBB2_9:
0xac: {  	p0 =	sne.s32 s14, $0x270;
	[tilespmem:v7+s7+$0x0] =	vst.idx.msk vm0, v9;
	vm0 =	vlt.s32 v8, v6;
	s8 =	sadd.s32 $0x10, s8  }
0xad: {  	v7 =	vadd.s32 v5, v8;
	v8 =	vld [tilespmem:s8+$0x0];
	_ =	sdelay $0x4  }
0xae: {  	s9 =	sadd.s32 $0x10, s9;
	[tilespmem:v7+s20+$0x0] =	vst.idx.msk vm0, v8  }
0xaf: {  	v8 =	vld [tilespmem:s9+$0x0];
	_ =	sdelay $0x4  }
0xb0: {  	s10 =	sadd.s32 $0x10, s10;
	[tilespmem:v7+s3+$0x0] =	vst.idx.msk vm0, v8  }
0xb1: {  	v8 =	vld [tilespmem:s10+$0x0];
	_ =	sdelay $0x4  }
0xb2: {  	s11 =	sadd.s32 $0x10, s11;
	[tilespmem:v7+s4+$0x0] =	vst.idx.msk vm0, v8  }
0xb3: {  	v8 =	vld [tilespmem:s11+$0x0];
	_ =	sdelay $0x4  }
0xb4: {  	s12 =	sadd.s32 $0x10, s12;
	[tilespmem:v7+s5+$0x0] =	vst.idx.msk vm0, v8  }
0xb5: {  	v8 =	vld [tilespmem:s12+$0x0];
	_ =	sdelay $0x4  }
0xb6: {  	s13 =	sadd.s32 $0x10, s13;
	[tilespmem:v7+s6+$0x0] =	vst.idx.msk vm0, v8  }
.Ltmp4:
0xb7: {  	v9 =	vld [tilespmem:s13+$0x0];
	(pc) =	sbr.rel @p0 .LBB2_9-.Ltmp4, $2  }
0xb8: {  	_ =	sdelay $0x2  }
0xb9: {  	v8 =	vor.u32 s14, v1;
	s14 =	sadd.s32 $0x10, s14  }
0xba: {  	_ =	sdelay $0x4  }
0xbb: {  	vm1 =	vlt.s32 v8, v6;
	[tilespmem:v7+s7+$0x0] =	vst.idx.msk vm0, v9;
	s8 =	sadd.s32 $0x10, s8  }
0xbc: {  	v5 =	vadd.s32 v5, v8;
	v6 =	vld [tilespmem:s8+$0x0];
	_ =	sdelay $0x4  }
0xbd: {  	s16 =	sadd.s32 $0x10, s9;
	[tilespmem:v5+s20+$0x0] =	vst.idx.msk vm1, v6  }
0xbe: {  	v6 =	vld [tilespmem:s16+$0x0];
	_ =	sdelay $0x4  }
0xbf: {  	s17 =	sadd.s32 $0x10, s10;
	[tilespmem:v5+s3+$0x0] =	vst.idx.msk vm1, v6  }
0xc0: {  	v6 =	vld [tilespmem:s17+$0x0];
	_ =	sdelay $0x4  }
0xc1: {  	s18 =	sadd.s32 $0x10, s11;
	[tilespmem:v5+s4+$0x0] =	vst.idx.msk vm1, v6  }
0xc2: {  	v6 =	vld [tilespmem:s18+$0x0];
	_ =	sdelay $0x4  }
0xc3: {  	s9 =	sadd.s32 $0x10, s12;
	[tilespmem:v5+s5+$0x0] =	vst.idx.msk vm1, v6  }
0xc4: {  	v6 =	vld [tilespmem:s9+$0x0];
	_ =	sdelay $0x4  }
0xc5: {  	s10 =	sadd.s32 $0x10, s13;
	[tilespmem:v5+s6+$0x0] =	vst.idx.msk vm1, v6  }
0xc6: {  	v6 =	vld [tilespmem:s10+$0x0];
	_ =	sdelay $0x4  }
0xc7: {  	s11 =	rddreg [dreg:$0x9];
	s16 =	simm.s32 $0x200;
	s9 =	simm.s32 $0x80;
	[tilespmem:v5+s7+$0x0] =	vst.idx.msk vm1, v6  }
0xc8: {  	[hbm4b:s11+s9] =	stream.strided.scatter [tilespmem:s20], [sflag:$0x1], $0x280, s16, s9, $0x38;
	[tilespmem:$0x10580] =	vst v63  }
0xc9: {  	_ =	swait.ge [sflag:s19], $0x280  }
0xca: {  	[sflag:s19] =	ssyncset.done $0x0  }
0xcb: {  	s12 =	rddreg [dreg:$0xa];
	[sflag:s19] =	ssyncadd.s32 $0xFFFFFD80  }
0xcc: {  	[hbm4b:s12+s9] =	stream.strided.scatter [tilespmem:s3], [sflag:$0x1], $0x280, s16, s9, $0x38;
	[tilespmem:$0x10580] =	vst v63  }
0xcd: {  	_ =	swait.ge [sflag:s19], $0x280  }
0xce: {  	[sflag:s19] =	ssyncset.done $0x0  }
0xcf: {  	s13 =	rddreg [dreg:$0xb];
	[sflag:s19] =	ssyncadd.s32 $0xFFFFFD80  }
0xd0: {  	[hbm4b:s13+s9] =	stream.strided.scatter [tilespmem:s4], [sflag:$0x1], $0x280, s16, s9, $0x38;
	[tilespmem:$0x10580] =	vst v63  }
0xd1: {  	_ =	swait.ge [sflag:s19], $0x280  }
0xd2: {  	[sflag:s19] =	ssyncset.done $0x0  }
0xd3: {  	s14 =	rddreg [dreg:$0xc];
	[sflag:s19] =	ssyncadd.s32 $0xFFFFFD80  }
0xd4: {  	[hbm4b:s14+s9] =	stream.strided.scatter [tilespmem:s5], [sflag:$0x1], $0x280, s16, s9, $0x38;
	[tilespmem:$0x10580] =	vst v63  }
0xd5: {  	_ =	swait.ge [sflag:s19], $0x280  }
0xd6: {  	[sflag:s19] =	ssyncset.done $0x0  }
0xd7: {  	s15 =	rddreg [dreg:$0xd];
	[sflag:s19] =	ssyncadd.s32 $0xFFFFFD80  }
0xd8: {  	[hbm4b:s15+s9] =	stream.strided.scatter [tilespmem:s6], [sflag:$0x1], $0x280, s16, s9, $0x38;
	[tilespmem:$0x10580] =	vst v63  }
0xd9: {  	_ =	swait.ge [sflag:s19], $0x280  }
0xda: {  	[sflag:s19] =	ssyncset.done $0x0  }
0xdb: {  	s17 =	rddreg [dreg:$0xe];
	[sflag:s19] =	ssyncadd.s32 $0xFFFFFD80  }
0xdc: {  	[hbm4b:s17+s9] =	stream.strided.scatter [tilespmem:s7], [sflag:$0x1], $0x280, s16, s9, $0x38;
	[tilespmem:$0x10580] =	vst v63  }
0xdd: {  	_ =	swait.ge [sflag:s19], $0x280  }
0xde: {  	s2 =	sadd.s32 $0x1, s2;
	s18 =	rddreg [dreg:$0x10]  }
0xdf: {  	p0 =	sne.s32 s2, s18  }
.Ltmp5:
0xe0: {  	_ = 	snop;
	(pc) =	sbr.rel @p0 .LBB2_2-.Ltmp5, $3  }
0xe1: {  	_ =	sdelay $0x1  }
0xe2: {  	[sflag:s19] =	ssyncset.done $0x0  }
0xe3: {  	[sflag:s19] =	ssyncadd.s32 $0xFFFFFD80  }
.LBB2_11:
0xe4: {  	_ =	sfence.sel $0x180000  }
0xe5: {  	[bflag:$0x0] =	sbarrier.arrive $0xFFFF  }
0xe6: {  	_ =	strace $0x90000047  }
0xe7: {  	s0 =	stileid.u32;
	[bflag:$0x2] =	sbarrier.arrive $0xFFFF  }
0xe8: {  	p0 =	sne.s32 s0, $0x0;
	s0 =	rddreg [dreg:$0x2]  }
0xe9: {  	s0 =	sadd.s32 @!p0 $0x100000, s0  }
0xea: {  	[sflag:s0] =	ssyncadd.tile.s32 @!p0 $0x1;
	_ =	shalt  }
.Lfunc_end2:
_tile_overlayer_lowered:
.L_overlay_start_2:
0xeb: {  	(tag) =	ssettag $0x2  }
0xec: {  	s0 =	rddreg [dreg:$0x0];
	s2 =	stileid.u32  }
0xed: {  	s1 =	rddreg [dreg:$0x1];
	p0 =	sne.s32 s2, $0x0  }
0xee: {  	s3 =	rddreg [dreg:$0x2];
	[bflag:$0x3] =	sbarrier.arrive $0xFFFF;
	s2 =	simm.s32 @!p0 $0x1C01  }
0xef: {  	[timem:s3], [sflag:s2] =	dma.local @!p0 [hbm:s0], s1  }
0xf0: {  	s0 =	simm.s32 @!p0 $0x1  }
0xf1: {  	_ =	swait.ge @!p0 [sflag:s0], s1  }
0xf2: {  	s1 =	ssub.s32 @!p0 $0x0, s1;
	[sflag:s0] =	ssyncset.done @!p0 $0x0  }
0xf3: {  	[sflag:s0] =	ssyncadd.s32 @!p0 s1  }
0xf4: {  	[bflag:$0x3] =	sbarrier.arrive $0xFFFF  }
0xf5: {  	_ =	shalt  }

</sc_bundles>
